<compile_context>
chip_gen: v7x
topology: tpu7x:2x2x1
jax: 0.10.2.dev20260603
libtpu: 0.0.44.dev20260713+nightly
codegen_flags: <defaults>
</compile_context>

<pallas_src>
import functools

import jax
import jax.numpy as jnp
from jax import lax
from jax.experimental import pallas as pl
from jax.experimental.pallas import tpu as pltpu
from jax.experimental.pallas import tpu_sc as plsc

BATCH = 16384
FEAT = 128
OUT_DIM = 1
TAB = 1000000

NC = 2
NS = 16
L = 16
NW = NC * NS
BPW = BATCH // NW
CHUNK = 128
NCHUNK = BPW // CHUNK
ROWS = BATCH // CHUNK
RPW = ROWS // NW

_sc_mesh = plsc.VectorSubcoreMesh(core_axis_name="c", subcore_axis_name="s")


@functools.partial(
    pl.kernel,
    mesh=_sc_mesh,
    out_type=jax.ShapeDtypeStruct((ROWS, CHUNK), jnp.float32),
    scratch_types=[
        pltpu.VMEM((NCHUNK, CHUNK), jnp.int32),
        pltpu.VMEM((NCHUNK, CHUNK), jnp.int32),
        pltpu.VMEM((NCHUNK, CHUNK), jnp.float32),
        pltpu.VMEM((NCHUNK, CHUNK), jnp.float32),
        pltpu.SemaphoreType.DMA,
        pltpu.SemaphoreType.DMA,
    ],
)
def _sc_gather_sum(user_hbm, item_hbm, etab_u, etab_i, out_hbm,
                   uidx, iidx, uval, ival, sem_u, sem_i):
    wid = lax.axis_index("s") * NC + lax.axis_index("c")
    pltpu.sync_copy(user_hbm.at[wid], uidx)
    pltpu.sync_copy(item_hbm.at[wid], iidx)
    tab_u = etab_u.at[0]
    tab_i = etab_i.at[0]
    copies = []
    for j in range(NCHUNK):
        copies.append(pltpu.async_copy(tab_u.at[uidx.at[j]], uval.at[j], sem_u))
        copies.append(pltpu.async_copy(tab_i.at[iidx.at[j]], ival.at[j], sem_i))
    for c in copies:
        c.wait()
    for j in range(NCHUNK):
        for i in range(CHUNK // L):
            sl = pl.ds(i * L, L)
            uval[j, sl] = uval[j, sl] + ival[j, sl]
    pltpu.sync_copy(uval, out_hbm.at[pl.ds(wid * RPW, RPW)])


def _tc_dense_body(uf_ref, if_ref, wu_ref, wi_ref, out_ref):
    acc = jnp.dot(uf_ref[...], wu_ref[...], preferred_element_type=jnp.float32)
    acc = acc + jnp.dot(if_ref[...], wi_ref[...], preferred_element_type=jnp.float32)
    out_ref[...] = acc.reshape(out_ref.shape)


BB = 8192
RB = BB // CHUNK


def _dense(uf, itf, wu, wi):
    return pl.pallas_call(
        _tc_dense_body,
        grid=(BATCH // BB,),
        in_specs=[
            pl.BlockSpec((BB, FEAT), lambda i: (i, 0)),
            pl.BlockSpec((BB, FEAT), lambda i: (i, 0)),
            pl.BlockSpec((FEAT, OUT_DIM), lambda i: (0, 0)),
            pl.BlockSpec((FEAT, OUT_DIM), lambda i: (0, 0)),
        ],
        out_specs=pl.BlockSpec((RB, CHUNK), lambda i: (i, 0)),
        out_shape=jax.ShapeDtypeStruct((ROWS, CHUNK), jnp.float32),
    )(uf, itf, wu, wi)


def _tc_combine_body(d_ref, g_ref, c_ref, out_ref):
    out_ref[...] = d_ref[...] + g_ref[...] + c_ref[0]


def _combine(dense, g, c):
    return pl.pallas_call(
        _tc_combine_body,
        in_specs=[
            pl.BlockSpec((ROWS, CHUNK), lambda: (0, 0)),
            pl.BlockSpec((ROWS, CHUNK), lambda: (0, 0)),
            pl.BlockSpec(memory_space=pltpu.SMEM),
        ],
        out_specs=pl.BlockSpec((ROWS, CHUNK), lambda: (0, 0)),
        out_shape=jax.ShapeDtypeStruct((ROWS, CHUNK), jnp.float32),
    )(dense, g, c)


def kernel(users_features, items_features, user, item, W_user, b_user,
           W_item, b_item, embed_user, embed_item, bias):
    u_idx = user.astype(jnp.int32).reshape(NW, NCHUNK, CHUNK)
    i_idx = item.astype(jnp.int32).reshape(NW, NCHUNK, CHUNK)
    g = _sc_gather_sum(u_idx, i_idx, embed_user.reshape(1, TAB),
                       embed_item.reshape(1, TAB))
    dense = _dense(users_features, items_features, W_user, W_item)
    c = (b_user + b_item + bias).astype(jnp.float32)
    out2d = _combine(dense, g, c)
    return out2d.reshape(BATCH, OUT_DIM)

# --- scband reference (transcript-rebuilt; emitter-appended) ---
"""Pipeline reference for scband-features-linear-36859409334841 (READ-ONLY COPY).

The authoritative reference and input builder live on the scoring server;
editing this copy changes nothing except your own understanding.
"""

import jax, jax.numpy as jnp
import numpy as np

USERS_DIM = 1000000
ITEMS_DIM = 1000000
USER_FEAT = 128
ITEM_FEAT = 128
OUT_DIM = 1
BATCH = 16384


def setup_inputs(seed: int = 0) -> dict:
    key = jax.random.key(seed)
    k1, k2, k3, k4, k5, k6, k7, k8 = jax.random.split(key, 8)
    users_features = jax.random.normal(k1, (BATCH, USER_FEAT), dtype=jnp.float32)
    items_features = jax.random.normal(k2, (BATCH, ITEM_FEAT), dtype=jnp.float32)
    user = jax.random.randint(k3, (BATCH,), 0, USERS_DIM, dtype=jnp.int64 if jax.config.jax_enable_x64 else jnp.int32)
    item = jax.random.randint(k4, (BATCH,), 0, ITEMS_DIM, dtype=jnp.int64 if jax.config.jax_enable_x64 else jnp.int32)
    # learned parameters (torch Linear default init ~ U(-1/sqrt(fan_in), 1/sqrt(fan_in)); Embedding ~ N(0,1))
    bu_lim = 1.0 / np.sqrt(USER_FEAT)
    bi_lim = 1.0 / np.sqrt(ITEM_FEAT)
    W_user = jax.random.uniform(k5, (USER_FEAT, OUT_DIM), minval=-bu_lim, maxval=bu_lim, dtype=jnp.float32)
    b_user = jax.random.uniform(jax.random.fold_in(k5, 1), (OUT_DIM,), minval=-bu_lim, maxval=bu_lim, dtype=jnp.float32)
    W_item = jax.random.uniform(k6, (ITEM_FEAT, OUT_DIM), minval=-bi_lim, maxval=bi_lim, dtype=jnp.float32)
    b_item = jax.random.uniform(jax.random.fold_in(k6, 1), (OUT_DIM,), minval=-bi_lim, maxval=bi_lim, dtype=jnp.float32)
    embed_user = jax.random.normal(k7, (USERS_DIM, OUT_DIM), dtype=jnp.float32)
    embed_item = jax.random.normal(k8, (ITEMS_DIM, OUT_DIM), dtype=jnp.float32)
    bias = jnp.zeros((OUT_DIM,), dtype=jnp.float32)
    return {
        "users_features": users_features,
        "items_features": items_features,
        "user": user,
        "item": item,
        "W_user": W_user,
        "b_user": b_user,
        "W_item": W_item,
        "b_item": b_item,
        "embed_user": embed_user,
        "embed_item": embed_item,
        "bias": bias,
    }


def reference(users_features, items_features, user, item, W_user, b_user, W_item, b_item, embed_user, embed_item, bias):
    # dense_user_features(x['users_features'])  -> [B, 1]
    fc_user_dense = users_features @ W_user + b_user
    # dense_item_features(x['items_features'])  -> [B, 1]
    fc_item_dense = items_features @ W_item + b_item
    # embed_user(x['user'])  -> [B, 1] (gather / SparseCore embedding lookup)
    eu = jnp.take(embed_user, user, axis=0)
    # embed_item(x['item'])  -> [B, 1]
    ei = jnp.take(embed_item, item, axis=0)
    fc = fc_user_dense + fc_item_dense + eu + ei
    out = (jnp.sum(fc, axis=1) + bias)[:, None]
    return out

if __name__ == "__main__":
    import jax
    _d = setup_inputs()
    print(jax.jit(kernel)(*tuple(_d.values())))

</pallas_src>

<mosaic_0001>
#map = affine_map<(d0, d1) -> (0, 0, 0)>
#map1 = affine_map<(d0, d1) -> (0, 0)>
module attributes {stable_mosaic.version = 14 : i64} {
  func.func @_sc_gather_sum(%arg0: i32, %arg1: i32, %arg2: memref<32x4x128xi32, #tpu.memory_space<hbm>>, %arg3: memref<32x4x128xi32, #tpu.memory_space<hbm>>, %arg4: memref<1x1000000xf32, #tpu.memory_space<hbm>>, %arg5: memref<1x1000000xf32, #tpu.memory_space<hbm>>, %arg6: memref<128x128xf32, #tpu.memory_space<hbm>>, %arg7: memref<4x128xi32, #tpu.memory_space<vmem>>, %arg8: memref<4x128xi32, #tpu.memory_space<vmem>>, %arg9: memref<4x128xf32, #tpu.memory_space<vmem>>, %arg10: memref<4x128xf32, #tpu.memory_space<vmem>>, %arg11: memref<!tpu.dma_semaphore, #tpu.memory_space<semaphore_mem>>, %arg12: memref<!tpu.dma_semaphore, #tpu.memory_space<semaphore_mem>>) attributes {dimension_semantics = [#tpu.dimension_semantics<core_parallel>, #tpu.dimension_semantics<subcore_parallel>], iteration_bounds = array<i64: 2, 16>, scalar_prefetch = 0 : i64, scratch_operands = 6 : i64, tpu.core_type = #tpu.core_type<sc_vector_subcore>, window_params = [{transform_indices = #map}, {transform_indices = #map}, {transform_indices = #map1}, {transform_indices = #map1}, {transform_indices = #map1}]} {
    %mul3A = arith.constant 2 : i32
    %mul3A_0 = arith.muli %arg1, %mul3A : i32
    %add3A = arith.addi %mul3A_0, %arg0 : i32
    "tpu.region"() ({
      %run_scoped3A = tpu.sem_alloc : memref<!tpu.dma_semaphore, #tpu.memory_space<semaphore_mem>>
      %dma_start3A_767 = arith.constant 0 : i32
      %dma_start3A_768 = arith.constant 0 : i32
      %dma_start3A_769 = tpu.memref_slice %arg2[%add3A, %dma_start3A_767, %dma_start3A_768] : memref<32x4x128xi32, #tpu.memory_space<hbm>> -> memref<1x4x128xi32, #tpu.memory_space<hbm>>
      %dma_start3A_770 = tpu.memref_squeeze %dma_start3A_769 : memref<1x4x128xi32, #tpu.memory_space<hbm>> -> memref<4x128xi32, #tpu.memory_space<hbm>>
      %dma_start3A_771 = arith.constant 0 : i32
      %dma_start3A_772 = arith.constant 0 : i32
      %dma_start3A_773 = tpu.memref_slice %arg2[%add3A, %dma_start3A_771, %dma_start3A_772] : memref<32x4x128xi32, #tpu.memory_space<hbm>> -> memref<1x4x128xi32, #tpu.memory_space<hbm>>
      %dma_start3A_774 = tpu.memref_squeeze %dma_start3A_773 : memref<1x4x128xi32, #tpu.memory_space<hbm>> -> memref<4x128xi32, #tpu.memory_space<hbm>>
      tpu.enqueue_dma source(%dma_start3A_774 : memref<4x128xi32, #tpu.memory_space<hbm>>) target(%arg7 : memref<4x128xi32, #tpu.memory_space<vmem>>) target_semaphore(%run_scoped3A : memref<!tpu.dma_semaphore, #tpu.memory_space<semaphore_mem>>)
      %dma_wait3A_775 = arith.constant 0 : i32
      %dma_wait3A_776 = arith.constant 0 : i32
      %dma_wait3A_777 = tpu.memref_slice %arg2[%add3A, %dma_wait3A_775, %dma_wait3A_776] : memref<32x4x128xi32, #tpu.memory_space<hbm>> -> memref<1x4x128xi32, #tpu.memory_space<hbm>>
      %dma_wait3A_778 = tpu.memref_squeeze %dma_wait3A_777 : memref<1x4x128xi32, #tpu.memory_space<hbm>> -> memref<4x128xi32, #tpu.memory_space<hbm>>
      %dma_wait3A_779 = arith.constant 0 : i32
      %dma_wait3A_780 = arith.constant 0 : i32
      %dma_wait3A_781 = tpu.memref_slice %arg2[%add3A, %dma_wait3A_779, %dma_wait3A_780] : memref<32x4x128xi32, #tpu.memory_space<hbm>> -> memref<1x4x128xi32, #tpu.memory_space<hbm>>
      %dma_wait3A_782 = tpu.memref_squeeze %dma_wait3A_781 : memref<1x4x128xi32, #tpu.memory_space<hbm>> -> memref<4x128xi32, #tpu.memory_space<hbm>>
      tpu.wait_dma2 semaphore(%run_scoped3A : memref<!tpu.dma_semaphore, #tpu.memory_space<semaphore_mem>>) src(%dma_wait3A_782 : memref<4x128xi32, #tpu.memory_space<hbm>>) dst(%arg7 : memref<4x128xi32, #tpu.memory_space<vmem>>)
      tpu.yield
    }) : () -> ()
    "tpu.region"() ({
      %run_scoped3A = tpu.sem_alloc : memref<!tpu.dma_semaphore, #tpu.memory_space<semaphore_mem>>
      %dma_start3A_767 = arith.constant 0 : i32
      %dma_start3A_768 = arith.constant 0 : i32
      %dma_start3A_769 = tpu.memref_slice %arg3[%add3A, %dma_start3A_767, %dma_start3A_768] : memref<32x4x128xi32, #tpu.memory_space<hbm>> -> memref<1x4x128xi32, #tpu.memory_space<hbm>>
      %dma_start3A_770 = tpu.memref_squeeze %dma_start3A_769 : memref<1x4x128xi32, #tpu.memory_space<hbm>> -> memref<4x128xi32, #tpu.memory_space<hbm>>
      %dma_start3A_771 = arith.constant 0 : i32
      %dma_start3A_772 = arith.constant 0 : i32
      %dma_start3A_773 = tpu.memref_slice %arg3[%add3A, %dma_start3A_771, %dma_start3A_772] : memref<32x4x128xi32, #tpu.memory_space<hbm>> -> memref<1x4x128xi32, #tpu.memory_space<hbm>>
      %dma_start3A_774 = tpu.memref_squeeze %dma_start3A_773 : memref<1x4x128xi32, #tpu.memory_space<hbm>> -> memref<4x128xi32, #tpu.memory_space<hbm>>
      tpu.enqueue_dma source(%dma_start3A_774 : memref<4x128xi32, #tpu.memory_space<hbm>>) target(%arg8 : memref<4x128xi32, #tpu.memory_space<vmem>>) target_semaphore(%run_scoped3A : memref<!tpu.dma_semaphore, #tpu.memory_space<semaphore_mem>>)
      %dma_wait3A_775 = arith.constant 0 : i32
      %dma_wait3A_776 = arith.constant 0 : i32
      %dma_wait3A_777 = tpu.memref_slice %arg3[%add3A, %dma_wait3A_775, %dma_wait3A_776] : memref<32x4x128xi32, #tpu.memory_space<hbm>> -> memref<1x4x128xi32, #tpu.memory_space<hbm>>
      %dma_wait3A_778 = tpu.memref_squeeze %dma_wait3A_777 : memref<1x4x128xi32, #tpu.memory_space<hbm>> -> memref<4x128xi32, #tpu.memory_space<hbm>>
      %dma_wait3A_779 = arith.constant 0 : i32
      %dma_wait3A_780 = arith.constant 0 : i32
      %dma_wait3A_781 = tpu.memref_slice %arg3[%add3A, %dma_wait3A_779, %dma_wait3A_780] : memref<32x4x128xi32, #tpu.memory_space<hbm>> -> memref<1x4x128xi32, #tpu.memory_space<hbm>>
      %dma_wait3A_782 = tpu.memref_squeeze %dma_wait3A_781 : memref<1x4x128xi32, #tpu.memory_space<hbm>> -> memref<4x128xi32, #tpu.memory_space<hbm>>
      tpu.wait_dma2 semaphore(%run_scoped3A : memref<!tpu.dma_semaphore, #tpu.memory_space<semaphore_mem>>) src(%dma_wait3A_782 : memref<4x128xi32, #tpu.memory_space<hbm>>) dst(%arg8 : memref<4x128xi32, #tpu.memory_space<vmem>>)
      tpu.yield
    }) : () -> ()
    %dma_start3A = arith.constant 0 : i32
    %dma_start3A_1 = arith.constant 0 : i32
    %dma_start3A_2 = arith.constant 0 : i32
    %dma_start3A_3 = arith.constant 0 : i32
    %dma_start3A_4 = tpu.memref_slice %arg9[%dma_start3A_2, %dma_start3A_3] : memref<4x128xf32, #tpu.memory_space<vmem>> -> memref<1x128xf32, #tpu.memory_space<vmem>>
    %dma_start3A_5 = tpu.memref_squeeze %dma_start3A_4 : memref<1x128xf32, #tpu.memory_space<vmem>> -> memref<128xf32, #tpu.memory_space<vmem>>
    %dma_start3A_6 = arith.constant 0 : i32
    %dma_start3A_7 = tpu.memref_slice %arg7[%dma_start3A_1, %dma_start3A_6] : memref<4x128xi32, #tpu.memory_space<vmem>> -> memref<1x128xi32, #tpu.memory_space<vmem>>
    %dma_start3A_8 = tpu.memref_squeeze %dma_start3A_7 : memref<1x128xi32, #tpu.memory_space<vmem>> -> memref<128xi32, #tpu.memory_space<vmem>>
    %dma_start3A_9 = arith.constant 0 : i32
    %dma_start3A_10 = tpu.memref_slice %arg4[%dma_start3A, %dma_start3A_9] : memref<1x1000000xf32, #tpu.memory_space<hbm>> -> memref<1x1000000xf32, #tpu.memory_space<hbm>>
    %dma_start3A_11 = tpu.memref_squeeze %dma_start3A_10 : memref<1x1000000xf32, #tpu.memory_space<hbm>> -> memref<1000000xf32, #tpu.memory_space<hbm>>
    %dma_start3A_12 = arith.constant 0 : i32
    %dma_start3A_13 = tpu.memref_slice %dma_start3A_11[%dma_start3A_12] : memref<1000000xf32, #tpu.memory_space<hbm>> -> memref<1000000xf32, #tpu.memory_space<hbm>>
    tpu.enqueue_indirect_dma source(%dma_start3A_13 : memref<1000000xf32, #tpu.memory_space<hbm>>) target(%dma_start3A_5 : memref<128xf32, #tpu.memory_space<vmem>>) offsets(%dma_start3A_8 : memref<128xi32, #tpu.memory_space<vmem>>) semaphore(%arg11 : memref<!tpu.dma_semaphore, #tpu.memory_space<semaphore_mem>>)
    %dma_start3A_14 = arith.constant 0 : i32
    %dma_start3A_15 = arith.constant 0 : i32
    %dma_start3A_16 = arith.constant 0 : i32
    %dma_start3A_17 = arith.constant 0 : i32
    %dma_start3A_18 = tpu.memref_slice %arg10[%dma_start3A_16, %dma_start3A_17] : memref<4x128xf32, #tpu.memory_space<vmem>> -> memref<1x128xf32, #tpu.memory_space<vmem>>
    %dma_start3A_19 = tpu.memref_squeeze %dma_start3A_18 : memref<1x128xf32, #tpu.memory_space<vmem>> -> memref<128xf32, #tpu.memory_space<vmem>>
    %dma_start3A_20 = arith.constant 0 : i32
    %dma_start3A_21 = tpu.memref_slice %arg8[%dma_start3A_15, %dma_start3A_20] : memref<4x128xi32, #tpu.memory_space<vmem>> -> memref<1x128xi32, #tpu.memory_space<vmem>>
    %dma_start3A_22 = tpu.memref_squeeze %dma_start3A_21 : memref<1x128xi32, #tpu.memory_space<vmem>> -> memref<128xi32, #tpu.memory_space<vmem>>
    %dma_start3A_23 = arith.constant 0 : i32
    %dma_start3A_24 = tpu.memref_slice %arg5[%dma_start3A_14, %dma_start3A_23] : memref<1x1000000xf32, #tpu.memory_space<hbm>> -> memref<1x1000000xf32, #tpu.memory_space<hbm>>
    %dma_start3A_25 = tpu.memref_squeeze %dma_start3A_24 : memref<1x1000000xf32, #tpu.memory_space<hbm>> -> memref<1000000xf32, #tpu.memory_space<hbm>>
    %dma_start3A_26 = arith.constant 0 : i32
    %dma_start3A_27 = tpu.memref_slice %dma_start3A_25[%dma_start3A_26] : memref<1000000xf32, #tpu.memory_space<hbm>> -> memref<1000000xf32, #tpu.memory_space<hbm>>
    tpu.enqueue_indirect_dma source(%dma_start3A_27 : memref<1000000xf32, #tpu.memory_space<hbm>>) target(%dma_start3A_19 : memref<128xf32, #tpu.memory_space<vmem>>) offsets(%dma_start3A_22 : memref<128xi32, #tpu.memory_space<vmem>>) semaphore(%arg12 : memref<!tpu.dma_semaphore, #tpu.memory_space<semaphore_mem>>)
    %dma_start3A_28 = arith.constant 0 : i32
    %dma_start3A_29 = arith.constant 1 : i32
    %dma_start3A_30 = arith.constant 1 : i32
    %dma_start3A_31 = arith.constant 0 : i32
    %dma_start3A_32 = tpu.memref_slice %arg9[%dma_start3A_30, %dma_start3A_31] : memref<4x128xf32, #tpu.memory_space<vmem>> -> memref<1x128xf32, #tpu.memory_space<vmem>>
    %dma_start3A_33 = tpu.memref_squeeze %dma_start3A_32 : memref<1x128xf32, #tpu.memory_space<vmem>> -> memref<128xf32, #tpu.memory_space<vmem>>
    %dma_start3A_34 = arith.constant 0 : i32
    %dma_start3A_35 = tpu.memref_slice %arg7[%dma_start3A_29, %dma_start3A_34] : memref<4x128xi32, #tpu.memory_space<vmem>> -> memref<1x128xi32, #tpu.memory_space<vmem>>
    %dma_start3A_36 = tpu.memref_squeeze %dma_start3A_35 : memref<1x128xi32, #tpu.memory_space<vmem>> -> memref<128xi32, #tpu.memory_space<vmem>>
    %dma_start3A_37 = arith.constant 0 : i32
    %dma_start3A_38 = tpu.memref_slice %arg4[%dma_start3A_28, %dma_start3A_37] : memref<1x1000000xf32, #tpu.memory_space<hbm>> -> memref<1x1000000xf32, #tpu.memory_space<hbm>>
    %dma_start3A_39 = tpu.memref_squeeze %dma_start3A_38 : memref<1x1000000xf32, #tpu.memory_space<hbm>> -> memref<1000000xf32, #tpu.memory_space<hbm>>
    %dma_start3A_40 = arith.constant 0 : i32
    %dma_start3A_41 = tpu.memref_slice %dma_start3A_39[%dma_start3A_40] : memref<1000000xf32, #tpu.memory_space<hbm>> -> memref<1000000xf32, #tpu.memory_space<hbm>>
    tpu.enqueue_indirect_dma source(%dma_start3A_41 : memref<1000000xf32, #tpu.memory_space<hbm>>) target(%dma_start3A_33 : memref<128xf32, #tpu.memory_space<vmem>>) offsets(%dma_start3A_36 : memref<128xi32, #tpu.memory_space<vmem>>) semaphore(%arg11 : memref<!tpu.dma_semaphore, #tpu.memory_space<semaphore_mem>>)
    %dma_start3A_42 = arith.constant 0 : i32
    %dma_start3A_43 = arith.constant 1 : i32
    %dma_start3A_44 = arith.constant 1 : i32
    %dma_start3A_45 = arith.constant 0 : i32
    %dma_start3A_46 = tpu.memref_slice %arg10[%dma_start3A_44, %dma_start3A_45] : memref<4x128xf32, #tpu.memory_space<vmem>> -> memref<1x128xf32, #tpu.memory_space<vmem>>
    %dma_start3A_47 = tpu.memref_squeeze %dma_start3A_46 : memref<1x128xf32, #tpu.memory_space<vmem>> -> memref<128xf32, #tpu.memory_space<vmem>>
    %dma_start3A_48 = arith.constant 0 : i32
    %dma_start3A_49 = tpu.memref_slice %arg8[%dma_start3A_43, %dma_start3A_48] : memref<4x128xi32, #tpu.memory_space<vmem>> -> memref<1x128xi32, #tpu.memory_space<vmem>>
    %dma_start3A_50 = tpu.memref_squeeze %dma_start3A_49 : memref<1x128xi32, #tpu.memory_space<vmem>> -> memref<128xi32, #tpu.memory_space<vmem>>
    %dma_start3A_51 = arith.constant 0 : i32
    %dma_start3A_52 = tpu.memref_slice %arg5[%dma_start3A_42, %dma_start3A_51] : memref<1x1000000xf32, #tpu.memory_space<hbm>> -> memref<1x1000000xf32, #tpu.memory_space<hbm>>
    %dma_start3A_53 = tpu.memref_squeeze %dma_start3A_52 : memref<1x1000000xf32, #tpu.memory_space<hbm>> -> memref<1000000xf32, #tpu.memory_space<hbm>>
    %dma_start3A_54 = arith.constant 0 : i32
    %dma_start3A_55 = tpu.memref_slice %dma_start3A_53[%dma_start3A_54] : memref<1000000xf32, #tpu.memory_space<hbm>> -> memref<1000000xf32, #tpu.memory_space<hbm>>
    tpu.enqueue_indirect_dma source(%dma_start3A_55 : memref<1000000xf32, #tpu.memory_space<hbm>>) target(%dma_start3A_47 : memref<128xf32, #tpu.memory_space<vmem>>) offsets(%dma_start3A_50 : memref<128xi32, #tpu.memory_space<vmem>>) semaphore(%arg12 : memref<!tpu.dma_semaphore, #tpu.memory_space<semaphore_mem>>)
    %dma_start3A_56 = arith.constant 0 : i32
    %dma_start3A_57 = arith.constant 2 : i32
    %dma_start3A_58 = arith.constant 2 : i32
    %dma_start3A_59 = arith.constant 0 : i32
    %dma_start3A_60 = tpu.memref_slice %arg9[%dma_start3A_58, %dma_start3A_59] : memref<4x128xf32, #tpu.memory_space<vmem>> -> memref<1x128xf32, #tpu.memory_space<vmem>>
    %dma_start3A_61 = tpu.memref_squeeze %dma_start3A_60 : memref<1x128xf32, #tpu.memory_space<vmem>> -> memref<128xf32, #tpu.memory_space<vmem>>
    %dma_start3A_62 = arith.constant 0 : i32
    %dma_start3A_63 = tpu.memref_slice %arg7[%dma_start3A_57, %dma_start3A_62] : memref<4x128xi32, #tpu.memory_space<vmem>> -> memref<1x128xi32, #tpu.memory_space<vmem>>
    %dma_start3A_64 = tpu.memref_squeeze %dma_start3A_63 : memref<1x128xi32, #tpu.memory_space<vmem>> -> memref<128xi32, #tpu.memory_space<vmem>>
    %dma_start3A_65 = arith.constant 0 : i32
    %dma_start3A_66 = tpu.memref_slice %arg4[%dma_start3A_56, %dma_start3A_65] : memref<1x1000000xf32, #tpu.memory_space<hbm>> -> memref<1x1000000xf32, #tpu.memory_space<hbm>>
    %dma_start3A_67 = tpu.memref_squeeze %dma_start3A_66 : memref<1x1000000xf32, #tpu.memory_space<hbm>> -> memref<1000000xf32, #tpu.memory_space<hbm>>
    %dma_start3A_68 = arith.constant 0 : i32
    %dma_start3A_69 = tpu.memref_slice %dma_start3A_67[%dma_start3A_68] : memref<1000000xf32, #tpu.memory_space<hbm>> -> memref<1000000xf32, #tpu.memory_space<hbm>>
    tpu.enqueue_indirect_dma source(%dma_start3A_69 : memref<1000000xf32, #tpu.memory_space<hbm>>) target(%dma_start3A_61 : memref<128xf32, #tpu.memory_space<vmem>>) offsets(%dma_start3A_64 : memref<128xi32, #tpu.memory_space<vmem>>) semaphore(%arg11 : memref<!tpu.dma_semaphore, #tpu.memory_space<semaphore_mem>>)
    %dma_start3A_70 = arith.constant 0 : i32
    %dma_start3A_71 = arith.constant 2 : i32
    %dma_start3A_72 = arith.constant 2 : i32
    %dma_start3A_73 = arith.constant 0 : i32
    %dma_start3A_74 = tpu.memref_slice %arg10[%dma_start3A_72, %dma_start3A_73] : memref<4x128xf32, #tpu.memory_space<vmem>> -> memref<1x128xf32, #tpu.memory_space<vmem>>
    %dma_start3A_75 = tpu.memref_squeeze %dma_start3A_74 : memref<1x128xf32, #tpu.memory_space<vmem>> -> memref<128xf32, #tpu.memory_space<vmem>>
    %dma_start3A_76 = arith.constant 0 : i32
    %dma_start3A_77 = tpu.memref_slice %arg8[%dma_start3A_71, %dma_start3A_76] : memref<4x128xi32, #tpu.memory_space<vmem>> -> memref<1x128xi32, #tpu.memory_space<vmem>>
    %dma_start3A_78 = tpu.memref_squeeze %dma_start3A_77 : memref<1x128xi32, #tpu.memory_space<vmem>> -> memref<128xi32, #tpu.memory_space<vmem>>
    %dma_start3A_79 = arith.constant 0 : i32
    %dma_start3A_80 = tpu.memref_slice %arg5[%dma_start3A_70, %dma_start3A_79] : memref<1x1000000xf32, #tpu.memory_space<hbm>> -> memref<1x1000000xf32, #tpu.memory_space<hbm>>
    %dma_start3A_81 = tpu.memref_squeeze %dma_start3A_80 : memref<1x1000000xf32, #tpu.memory_space<hbm>> -> memref<1000000xf32, #tpu.memory_space<hbm>>
    %dma_start3A_82 = arith.constant 0 : i32
    %dma_start3A_83 = tpu.memref_slice %dma_start3A_81[%dma_start3A_82] : memref<1000000xf32, #tpu.memory_space<hbm>> -> memref<1000000xf32, #tpu.memory_space<hbm>>
    tpu.enqueue_indirect_dma source(%dma_start3A_83 : memref<1000000xf32, #tpu.memory_space<hbm>>) target(%dma_start3A_75 : memref<128xf32, #tpu.memory_space<vmem>>) offsets(%dma_start3A_78 : memref<128xi32, #tpu.memory_space<vmem>>) semaphore(%arg12 : memref<!tpu.dma_semaphore, #tpu.memory_space<semaphore_mem>>)
    %dma_start3A_84 = arith.constant 0 : i32
    %dma_start3A_85 = arith.constant 3 : i32
    %dma_start3A_86 = arith.constant 3 : i32
    %dma_start3A_87 = arith.constant 0 : i32
    %dma_start3A_88 = tpu.memref_slice %arg9[%dma_start3A_86, %dma_start3A_87] : memref<4x128xf32, #tpu.memory_space<vmem>> -> memref<1x128xf32, #tpu.memory_space<vmem>>
    %dma_start3A_89 = tpu.memref_squeeze %dma_start3A_88 : memref<1x128xf32, #tpu.memory_space<vmem>> -> memref<128xf32, #tpu.memory_space<vmem>>
    %dma_start3A_90 = arith.constant 0 : i32
    %dma_start3A_91 = tpu.memref_slice %arg7[%dma_start3A_85, %dma_start3A_90] : memref<4x128xi32, #tpu.memory_space<vmem>> -> memref<1x128xi32, #tpu.memory_space<vmem>>
    %dma_start3A_92 = tpu.memref_squeeze %dma_start3A_91 : memref<1x128xi32, #tpu.memory_space<vmem>> -> memref<128xi32, #tpu.memory_space<vmem>>
    %dma_start3A_93 = arith.constant 0 : i32
    %dma_start3A_94 = tpu.memref_slice %arg4[%dma_start3A_84, %dma_start3A_93] : memref<1x1000000xf32, #tpu.memory_space<hbm>> -> memref<1x1000000xf32, #tpu.memory_space<hbm>>
    %dma_start3A_95 = tpu.memref_squeeze %dma_start3A_94 : memref<1x1000000xf32, #tpu.memory_space<hbm>> -> memref<1000000xf32, #tpu.memory_space<hbm>>
    %dma_start3A_96 = arith.constant 0 : i32
    %dma_start3A_97 = tpu.memref_slice %dma_start3A_95[%dma_start3A_96] : memref<1000000xf32, #tpu.memory_space<hbm>> -> memref<1000000xf32, #tpu.memory_space<hbm>>
    tpu.enqueue_indirect_dma source(%dma_start3A_97 : memref<1000000xf32, #tpu.memory_space<hbm>>) target(%dma_start3A_89 : memref<128xf32, #tpu.memory_space<vmem>>) offsets(%dma_start3A_92 : memref<128xi32, #tpu.memory_space<vmem>>) semaphore(%arg11 : memref<!tpu.dma_semaphore, #tpu.memory_space<semaphore_mem>>)
    %dma_start3A_98 = arith.constant 0 : i32
    %dma_start3A_99 = arith.constant 3 : i32
    %dma_start3A_100 = arith.constant 3 : i32
    %dma_start3A_101 = arith.constant 0 : i32
    %dma_start3A_102 = tpu.memref_slice %arg10[%dma_start3A_100, %dma_start3A_101] : memref<4x128xf32, #tpu.memory_space<vmem>> -> memref<1x128xf32, #tpu.memory_space<vmem>>
    %dma_start3A_103 = tpu.memref_squeeze %dma_start3A_102 : memref<1x128xf32, #tpu.memory_space<vmem>> -> memref<128xf32, #tpu.memory_space<vmem>>
    %dma_start3A_104 = arith.constant 0 : i32
    %dma_start3A_105 = tpu.memref_slice %arg8[%dma_start3A_99, %dma_start3A_104] : memref<4x128xi32, #tpu.memory_space<vmem>> -> memref<1x128xi32, #tpu.memory_space<vmem>>
    %dma_start3A_106 = tpu.memref_squeeze %dma_start3A_105 : memref<1x128xi32, #tpu.memory_space<vmem>> -> memref<128xi32, #tpu.memory_space<vmem>>
    %dma_start3A_107 = arith.constant 0 : i32
    %dma_start3A_108 = tpu.memref_slice %arg5[%dma_start3A_98, %dma_start3A_107] : memref<1x1000000xf32, #tpu.memory_space<hbm>> -> memref<1x1000000xf32, #tpu.memory_space<hbm>>
    %dma_start3A_109 = tpu.memref_squeeze %dma_start3A_108 : memref<1x1000000xf32, #tpu.memory_space<hbm>> -> memref<1000000xf32, #tpu.memory_space<hbm>>
    %dma_start3A_110 = arith.constant 0 : i32
    %dma_start3A_111 = tpu.memref_slice %dma_start3A_109[%dma_start3A_110] : memref<1000000xf32, #tpu.memory_space<hbm>> -> memref<1000000xf32, #tpu.memory_space<hbm>>
    tpu.enqueue_indirect_dma source(%dma_start3A_111 : memref<1000000xf32, #tpu.memory_space<hbm>>) target(%dma_start3A_103 : memref<128xf32, #tpu.memory_space<vmem>>) offsets(%dma_start3A_106 : memref<128xi32, #tpu.memory_space<vmem>>) semaphore(%arg12 : memref<!tpu.dma_semaphore, #tpu.memory_space<semaphore_mem>>)
    %dma_wait3A = arith.constant 0 : i32
    %dma_wait3A_112 = arith.constant 0 : i32
    %dma_wait3A_113 = arith.constant 0 : i32
    %dma_wait3A_114 = arith.constant 0 : i32
    %dma_wait3A_115 = tpu.memref_slice %arg9[%dma_wait3A_113, %dma_wait3A_114] : memref<4x128xf32, #tpu.memory_space<vmem>> -> memref<1x128xf32, #tpu.memory_space<vmem>>
    %dma_wait3A_116 = tpu.memref_squeeze %dma_wait3A_115 : memref<1x128xf32, #tpu.memory_space<vmem>> -> memref<128xf32, #tpu.memory_space<vmem>>
    %dma_wait3A_117 = arith.constant 0 : i32
    %dma_wait3A_118 = tpu.memref_slice %arg7[%dma_wait3A_112, %dma_wait3A_117] : memref<4x128xi32, #tpu.memory_space<vmem>> -> memref<1x128xi32, #tpu.memory_space<vmem>>
    %dma_wait3A_119 = tpu.memref_squeeze %dma_wait3A_118 : memref<1x128xi32, #tpu.memory_space<vmem>> -> memref<128xi32, #tpu.memory_space<vmem>>
    %dma_wait3A_120 = arith.constant 0 : i32
    %dma_wait3A_121 = tpu.memref_slice %arg4[%dma_wait3A, %dma_wait3A_120] : memref<1x1000000xf32, #tpu.memory_space<hbm>> -> memref<1x1000000xf32, #tpu.memory_space<hbm>>
    %dma_wait3A_122 = tpu.memref_squeeze %dma_wait3A_121 : memref<1x1000000xf32, #tpu.memory_space<hbm>> -> memref<1000000xf32, #tpu.memory_space<hbm>>
    %dma_wait3A_123 = arith.constant 0 : i32
    %dma_wait3A_124 = tpu.memref_slice %dma_wait3A_122[%dma_wait3A_123] : memref<1000000xf32, #tpu.memory_space<hbm>> -> memref<1000000xf32, #tpu.memory_space<hbm>>
    tpu.wait_indirect_dma semaphore(%arg11 : memref<!tpu.dma_semaphore, #tpu.memory_space<semaphore_mem>>) src(%dma_wait3A_124 : memref<1000000xf32, #tpu.memory_space<hbm>>) dst(%dma_wait3A_116 : memref<128xf32, #tpu.memory_space<vmem>>)
    %dma_wait3A_125 = arith.constant 0 : i32
    %dma_wait3A_126 = arith.constant 0 : i32
    %dma_wait3A_127 = arith.constant 0 : i32
    %dma_wait3A_128 = arith.constant 0 : i32
    %dma_wait3A_129 = tpu.memref_slice %arg10[%dma_wait3A_127, %dma_wait3A_128] : memref<4x128xf32, #tpu.memory_space<vmem>> -> memref<1x128xf32, #tpu.memory_space<vmem>>
    %dma_wait3A_130 = tpu.memref_squeeze %dma_wait3A_129 : memref<1x128xf32, #tpu.memory_space<vmem>> -> memref<128xf32, #tpu.memory_space<vmem>>
    %dma_wait3A_131 = arith.constant 0 : i32
    %dma_wait3A_132 = tpu.memref_slice %arg8[%dma_wait3A_126, %dma_wait3A_131] : memref<4x128xi32, #tpu.memory_space<vmem>> -> memref<1x128xi32, #tpu.memory_space<vmem>>
    %dma_wait3A_133 = tpu.memref_squeeze %dma_wait3A_132 : memref<1x128xi32, #tpu.memory_space<vmem>> -> memref<128xi32, #tpu.memory_space<vmem>>
    %dma_wait3A_134 = arith.constant 0 : i32
    %dma_wait3A_135 = tpu.memref_slice %arg5[%dma_wait3A_125, %dma_wait3A_134] : memref<1x1000000xf32, #tpu.memory_space<hbm>> -> memref<1x1000000xf32, #tpu.memory_space<hbm>>
    %dma_wait3A_136 = tpu.memref_squeeze %dma_wait3A_135 : memref<1x1000000xf32, #tpu.memory_space<hbm>> -> memref<1000000xf32, #tpu.memory_space<hbm>>
    %dma_wait3A_137 = arith.constant 0 : i32
    %dma_wait3A_138 = tpu.memref_slice %dma_wait3A_136[%dma_wait3A_137] : memref<1000000xf32, #tpu.memory_space<hbm>> -> memref<1000000xf32, #tpu.memory_space<hbm>>
    tpu.wait_indirect_dma semaphore(%arg12 : memref<!tpu.dma_semaphore, #tpu.memory_space<semaphore_mem>>) src(%dma_wait3A_138 : memref<1000000xf32, #tpu.memory_space<hbm>>) dst(%dma_wait3A_130 : memref<128xf32, #tpu.memory_space<vmem>>)
    %dma_wait3A_139 = arith.constant 0 : i32
    %dma_wait3A_140 = arith.constant 1 : i32
    %dma_wait3A_141 = arith.constant 1 : i32
    %dma_wait3A_142 = arith.constant 0 : i32
    %dma_wait3A_143 = tpu.memref_slice %arg9[%dma_wait3A_141, %dma_wait3A_142] : memref<4x128xf32, #tpu.memory_space<vmem>> -> memref<1x128xf32, #tpu.memory_space<vmem>>
    %dma_wait3A_144 = tpu.memref_squeeze %dma_wait3A_143 : memref<1x128xf32, #tpu.memory_space<vmem>> -> memref<128xf32, #tpu.memory_space<vmem>>
    %dma_wait3A_145 = arith.constant 0 : i32
    %dma_wait3A_146 = tpu.memref_slice %arg7[%dma_wait3A_140, %dma_wait3A_145] : memref<4x128xi32, #tpu.memory_space<vmem>> -> memref<1x128xi32, #tpu.memory_space<vmem>>
    %dma_wait3A_147 = tpu.memref_squeeze %dma_wait3A_146 : memref<1x128xi32, #tpu.memory_space<vmem>> -> memref<128xi32, #tpu.memory_space<vmem>>
    %dma_wait3A_148 = arith.constant 0 : i32
    %dma_wait3A_149 = tpu.memref_slice %arg4[%dma_wait3A_139, %dma_wait3A_148] : memref<1x1000000xf32, #tpu.memory_space<hbm>> -> memref<1x1000000xf32, #tpu.memory_space<hbm>>
    %dma_wait3A_150 = tpu.memref_squeeze %dma_wait3A_149 : memref<1x1000000xf32, #tpu.memory_space<hbm>> -> memref<1000000xf32, #tpu.memory_space<hbm>>
    %dma_wait3A_151 = arith.constant 0 : i32
    %dma_wait3A_152 = tpu.memref_slice %dma_wait3A_150[%dma_wait3A_151] : memref<1000000xf32, #tpu.memory_space<hbm>> -> memref<1000000xf32, #tpu.memory_space<hbm>>
    tpu.wait_indirect_dma semaphore(%arg11 : memref<!tpu.dma_semaphore, #tpu.memory_space<semaphore_mem>>) src(%dma_wait3A_152 : memref<1000000xf32, #tpu.memory_space<hbm>>) dst(%dma_wait3A_144 : memref<128xf32, #tpu.memory_space<vmem>>)
    %dma_wait3A_153 = arith.constant 0 : i32
    %dma_wait3A_154 = arith.constant 1 : i32
    %dma_wait3A_155 = arith.constant 1 : i32
    %dma_wait3A_156 = arith.constant 0 : i32
    %dma_wait3A_157 = tpu.memref_slice %arg10[%dma_wait3A_155, %dma_wait3A_156] : memref<4x128xf32, #tpu.memory_space<vmem>> -> memref<1x128xf32, #tpu.memory_space<vmem>>
    %dma_wait3A_158 = tpu.memref_squeeze %dma_wait3A_157 : memref<1x128xf32, #tpu.memory_space<vmem>> -> memref<128xf32, #tpu.memory_space<vmem>>
    %dma_wait3A_159 = arith.constant 0 : i32
    %dma_wait3A_160 = tpu.memref_slice %arg8[%dma_wait3A_154, %dma_wait3A_159] : memref<4x128xi32, #tpu.memory_space<vmem>> -> memref<1x128xi32, #tpu.memory_space<vmem>>
    %dma_wait3A_161 = tpu.memref_squeeze %dma_wait3A_160 : memref<1x128xi32, #tpu.memory_space<vmem>> -> memref<128xi32, #tpu.memory_space<vmem>>
    %dma_wait3A_162 = arith.constant 0 : i32
    %dma_wait3A_163 = tpu.memref_slice %arg5[%dma_wait3A_153, %dma_wait3A_162] : memref<1x1000000xf32, #tpu.memory_space<hbm>> -> memref<1x1000000xf32, #tpu.memory_space<hbm>>
    %dma_wait3A_164 = tpu.memref_squeeze %dma_wait3A_163 : memref<1x1000000xf32, #tpu.memory_space<hbm>> -> memref<1000000xf32, #tpu.memory_space<hbm>>
    %dma_wait3A_165 = arith.constant 0 : i32
    %dma_wait3A_166 = tpu.memref_slice %dma_wait3A_164[%dma_wait3A_165] : memref<1000000xf32, #tpu.memory_space<hbm>> -> memref<1000000xf32, #tpu.memory_space<hbm>>
    tpu.wait_indirect_dma semaphore(%arg12 : memref<!tpu.dma_semaphore, #tpu.memory_space<semaphore_mem>>) src(%dma_wait3A_166 : memref<1000000xf32, #tpu.memory_space<hbm>>) dst(%dma_wait3A_158 : memref<128xf32, #tpu.memory_space<vmem>>)
    %dma_wait3A_167 = arith.constant 0 : i32
    %dma_wait3A_168 = arith.constant 2 : i32
    %dma_wait3A_169 = arith.constant 2 : i32
    %dma_wait3A_170 = arith.constant 0 : i32
    %dma_wait3A_171 = tpu.memref_slice %arg9[%dma_wait3A_169, %dma_wait3A_170] : memref<4x128xf32, #tpu.memory_space<vmem>> -> memref<1x128xf32, #tpu.memory_space<vmem>>
    %dma_wait3A_172 = tpu.memref_squeeze %dma_wait3A_171 : memref<1x128xf32, #tpu.memory_space<vmem>> -> memref<128xf32, #tpu.memory_space<vmem>>
    %dma_wait3A_173 = arith.constant 0 : i32
    %dma_wait3A_174 = tpu.memref_slice %arg7[%dma_wait3A_168, %dma_wait3A_173] : memref<4x128xi32, #tpu.memory_space<vmem>> -> memref<1x128xi32, #tpu.memory_space<vmem>>
    %dma_wait3A_175 = tpu.memref_squeeze %dma_wait3A_174 : memref<1x128xi32, #tpu.memory_space<vmem>> -> memref<128xi32, #tpu.memory_space<vmem>>
    %dma_wait3A_176 = arith.constant 0 : i32
    %dma_wait3A_177 = tpu.memref_slice %arg4[%dma_wait3A_167, %dma_wait3A_176] : memref<1x1000000xf32, #tpu.memory_space<hbm>> -> memref<1x1000000xf32, #tpu.memory_space<hbm>>
    %dma_wait3A_178 = tpu.memref_squeeze %dma_wait3A_177 : memref<1x1000000xf32, #tpu.memory_space<hbm>> -> memref<1000000xf32, #tpu.memory_space<hbm>>
    %dma_wait3A_179 = arith.constant 0 : i32
    %dma_wait3A_180 = tpu.memref_slice %dma_wait3A_178[%dma_wait3A_179] : memref<1000000xf32, #tpu.memory_space<hbm>> -> memref<1000000xf32, #tpu.memory_space<hbm>>
    tpu.wait_indirect_dma semaphore(%arg11 : memref<!tpu.dma_semaphore, #tpu.memory_space<semaphore_mem>>) src(%dma_wait3A_180 : memref<1000000xf32, #tpu.memory_space<hbm>>) dst(%dma_wait3A_172 : memref<128xf32, #tpu.memory_space<vmem>>)
    %dma_wait3A_181 = arith.constant 0 : i32
    %dma_wait3A_182 = arith.constant 2 : i32
    %dma_wait3A_183 = arith.constant 2 : i32
    %dma_wait3A_184 = arith.constant 0 : i32
    %dma_wait3A_185 = tpu.memref_slice %arg10[%dma_wait3A_183, %dma_wait3A_184] : memref<4x128xf32, #tpu.memory_space<vmem>> -> memref<1x128xf32, #tpu.memory_space<vmem>>
    %dma_wait3A_186 = tpu.memref_squeeze %dma_wait3A_185 : memref<1x128xf32, #tpu.memory_space<vmem>> -> memref<128xf32, #tpu.memory_space<vmem>>
    %dma_wait3A_187 = arith.constant 0 : i32
    %dma_wait3A_188 = tpu.memref_slice %arg8[%dma_wait3A_182, %dma_wait3A_187] : memref<4x128xi32, #tpu.memory_space<vmem>> -> memref<1x128xi32, #tpu.memory_space<vmem>>
    %dma_wait3A_189 = tpu.memref_squeeze %dma_wait3A_188 : memref<1x128xi32, #tpu.memory_space<vmem>> -> memref<128xi32, #tpu.memory_space<vmem>>
    %dma_wait3A_190 = arith.constant 0 : i32
    %dma_wait3A_191 = tpu.memref_slice %arg5[%dma_wait3A_181, %dma_wait3A_190] : memref<1x1000000xf32, #tpu.memory_space<hbm>> -> memref<1x1000000xf32, #tpu.memory_space<hbm>>
    %dma_wait3A_192 = tpu.memref_squeeze %dma_wait3A_191 : memref<1x1000000xf32, #tpu.memory_space<hbm>> -> memref<1000000xf32, #tpu.memory_space<hbm>>
    %dma_wait3A_193 = arith.constant 0 : i32
    %dma_wait3A_194 = tpu.memref_slice %dma_wait3A_192[%dma_wait3A_193] : memref<1000000xf32, #tpu.memory_space<hbm>> -> memref<1000000xf32, #tpu.memory_space<hbm>>
    tpu.wait_indirect_dma semaphore(%arg12 : memref<!tpu.dma_semaphore, #tpu.memory_space<semaphore_mem>>) src(%dma_wait3A_194 : memref<1000000xf32, #tpu.memory_space<hbm>>) dst(%dma_wait3A_186 : memref<128xf32, #tpu.memory_space<vmem>>)
    %dma_wait3A_195 = arith.constant 0 : i32
    %dma_wait3A_196 = arith.constant 3 : i32
    %dma_wait3A_197 = arith.constant 3 : i32
    %dma_wait3A_198 = arith.constant 0 : i32
    %dma_wait3A_199 = tpu.memref_slice %arg9[%dma_wait3A_197, %dma_wait3A_198] : memref<4x128xf32, #tpu.memory_space<vmem>> -> memref<1x128xf32, #tpu.memory_space<vmem>>
    %dma_wait3A_200 = tpu.memref_squeeze %dma_wait3A_199 : memref<1x128xf32, #tpu.memory_space<vmem>> -> memref<128xf32, #tpu.memory_space<vmem>>
    %dma_wait3A_201 = arith.constant 0 : i32
    %dma_wait3A_202 = tpu.memref_slice %arg7[%dma_wait3A_196, %dma_wait3A_201] : memref<4x128xi32, #tpu.memory_space<vmem>> -> memref<1x128xi32, #tpu.memory_space<vmem>>
    %dma_wait3A_203 = tpu.memref_squeeze %dma_wait3A_202 : memref<1x128xi32, #tpu.memory_space<vmem>> -> memref<128xi32, #tpu.memory_space<vmem>>
    %dma_wait3A_204 = arith.constant 0 : i32
    %dma_wait3A_205 = tpu.memref_slice %arg4[%dma_wait3A_195, %dma_wait3A_204] : memref<1x1000000xf32, #tpu.memory_space<hbm>> -> memref<1x1000000xf32, #tpu.memory_space<hbm>>
    %dma_wait3A_206 = tpu.memref_squeeze %dma_wait3A_205 : memref<1x1000000xf32, #tpu.memory_space<hbm>> -> memref<1000000xf32, #tpu.memory_space<hbm>>
    %dma_wait3A_207 = arith.constant 0 : i32
    %dma_wait3A_208 = tpu.memref_slice %dma_wait3A_206[%dma_wait3A_207] : memref<1000000xf32, #tpu.memory_space<hbm>> -> memref<1000000xf32, #tpu.memory_space<hbm>>
    tpu.wait_indirect_dma semaphore(%arg11 : memref<!tpu.dma_semaphore, #tpu.memory_space<semaphore_mem>>) src(%dma_wait3A_208 : memref<1000000xf32, #tpu.memory_space<hbm>>) dst(%dma_wait3A_200 : memref<128xf32, #tpu.memory_space<vmem>>)
    %dma_wait3A_209 = arith.constant 0 : i32
    %dma_wait3A_210 = arith.constant 3 : i32
    %dma_wait3A_211 = arith.constant 3 : i32
    %dma_wait3A_212 = arith.constant 0 : i32
    %dma_wait3A_213 = tpu.memref_slice %arg10[%dma_wait3A_211, %dma_wait3A_212] : memref<4x128xf32, #tpu.memory_space<vmem>> -> memref<1x128xf32, #tpu.memory_space<vmem>>
    %dma_wait3A_214 = tpu.memref_squeeze %dma_wait3A_213 : memref<1x128xf32, #tpu.memory_space<vmem>> -> memref<128xf32, #tpu.memory_space<vmem>>
    %dma_wait3A_215 = arith.constant 0 : i32
    %dma_wait3A_216 = tpu.memref_slice %arg8[%dma_wait3A_210, %dma_wait3A_215] : memref<4x128xi32, #tpu.memory_space<vmem>> -> memref<1x128xi32, #tpu.memory_space<vmem>>
    %dma_wait3A_217 = tpu.memref_squeeze %dma_wait3A_216 : memref<1x128xi32, #tpu.memory_space<vmem>> -> memref<128xi32, #tpu.memory_space<vmem>>
    %dma_wait3A_218 = arith.constant 0 : i32
    %dma_wait3A_219 = tpu.memref_slice %arg5[%dma_wait3A_209, %dma_wait3A_218] : memref<1x1000000xf32, #tpu.memory_space<hbm>> -> memref<1x1000000xf32, #tpu.memory_space<hbm>>
    %dma_wait3A_220 = tpu.memref_squeeze %dma_wait3A_219 : memref<1x1000000xf32, #tpu.memory_space<hbm>> -> memref<1000000xf32, #tpu.memory_space<hbm>>
    %dma_wait3A_221 = arith.constant 0 : i32
    %dma_wait3A_222 = tpu.memref_slice %dma_wait3A_220[%dma_wait3A_221] : memref<1000000xf32, #tpu.memory_space<hbm>> -> memref<1000000xf32, #tpu.memory_space<hbm>>
    tpu.wait_indirect_dma semaphore(%arg12 : memref<!tpu.dma_semaphore, #tpu.memory_space<semaphore_mem>>) src(%dma_wait3A_222 : memref<1000000xf32, #tpu.memory_space<hbm>>) dst(%dma_wait3A_214 : memref<128xf32, #tpu.memory_space<vmem>>)
    %get3A = arith.constant 0 : i32
    %get3A_223 = arith.index_cast %get3A : i32 to index
    %get3A_224 = arith.constant 0 : index
    %get3A_225 = tpu.vector_load %arg9[%get3A_223, %get3A_224] {strides = array<i32>} : memref<4x128xf32, #tpu.memory_space<vmem>>, vector<1x16xf32>,
    %get3A_226 = vector.shape_cast %get3A_225 : vector<1x16xf32> to vector<16xf32>
    %get3A_227 = arith.constant 0 : i32
    %get3A_228 = arith.index_cast %get3A_227 : i32 to index
    %get3A_229 = arith.constant 0 : index
    %get3A_230 = tpu.vector_load %arg10[%get3A_228, %get3A_229] {strides = array<i32>} : memref<4x128xf32, #tpu.memory_space<vmem>>, vector<1x16xf32>,
    %get3A_231 = vector.shape_cast %get3A_230 : vector<1x16xf32> to vector<16xf32>
    %add3A_232 = arith.addf %get3A_226, %get3A_231 : vector<16xf32>
    %swap3A = arith.constant 0 : i32
    %swap3A_233 = arith.index_cast %swap3A : i32 to index
    %swap3A_234 = arith.constant 0 : index
    %swap3A_235 = tpu.vector_load %arg9[%swap3A_233, %swap3A_234] {strides = array<i32>} : memref<4x128xf32, #tpu.memory_space<vmem>>, vector<1x16xf32>,
    %swap3A_236 = vector.shape_cast %swap3A_235 : vector<1x16xf32> to vector<16xf32>
    %swap3A_237 = vector.shape_cast %add3A_232 : vector<16xf32> to vector<1x16xf32>
    tpu.vector_store %arg9[%swap3A_233, %swap3A_234], %swap3A_237 {strides = array<i32>} : memref<4x128xf32, #tpu.memory_space<vmem>>, vector<1x16xf32>,
    %get3A_238 = arith.constant 0 : i32
    %get3A_239 = arith.index_cast %get3A_238 : i32 to index
    %get3A_240 = arith.constant 16 : index
    %get3A_241 = tpu.vector_load %arg9[%get3A_239, %get3A_240] {strides = array<i32>} : memref<4x128xf32, #tpu.memory_space<vmem>>, vector<1x16xf32>,
    %get3A_242 = vector.shape_cast %get3A_241 : vector<1x16xf32> to vector<16xf32>
    %get3A_243 = arith.constant 0 : i32
    %get3A_244 = arith.index_cast %get3A_243 : i32 to index
    %get3A_245 = arith.constant 16 : index
    %get3A_246 = tpu.vector_load %arg10[%get3A_244, %get3A_245] {strides = array<i32>} : memref<4x128xf32, #tpu.memory_space<vmem>>, vector<1x16xf32>,
    %get3A_247 = vector.shape_cast %get3A_246 : vector<1x16xf32> to vector<16xf32>
    %add3A_248 = arith.addf %get3A_242, %get3A_247 : vector<16xf32>
    %swap3A_249 = arith.constant 0 : i32
    %swap3A_250 = arith.index_cast %swap3A_249 : i32 to index
    %swap3A_251 = arith.constant 16 : index
    %swap3A_252 = tpu.vector_load %arg9[%swap3A_250, %swap3A_251] {strides = array<i32>} : memref<4x128xf32, #tpu.memory_space<vmem>>, vector<1x16xf32>,
    %swap3A_253 = vector.shape_cast %swap3A_252 : vector<1x16xf32> to vector<16xf32>
    %swap3A_254 = vector.shape_cast %add3A_248 : vector<16xf32> to vector<1x16xf32>
    tpu.vector_store %arg9[%swap3A_250, %swap3A_251], %swap3A_254 {strides = array<i32>} : memref<4x128xf32, #tpu.memory_space<vmem>>, vector<1x16xf32>,
    %get3A_255 = arith.constant 0 : i32
    %get3A_256 = arith.index_cast %get3A_255 : i32 to index
    %get3A_257 = arith.constant 32 : index
    %get3A_258 = tpu.vector_load %arg9[%get3A_256, %get3A_257] {strides = array<i32>} : memref<4x128xf32, #tpu.memory_space<vmem>>, vector<1x16xf32>,
    %get3A_259 = vector.shape_cast %get3A_258 : vector<1x16xf32> to vector<16xf32>
    %get3A_260 = arith.constant 0 : i32
    %get3A_261 = arith.index_cast %get3A_260 : i32 to index
    %get3A_262 = arith.constant 32 : index
    %get3A_263 = tpu.vector_load %arg10[%get3A_261, %get3A_262] {strides = array<i32>} : memref<4x128xf32, #tpu.memory_space<vmem>>, vector<1x16xf32>,
    %get3A_264 = vector.shape_cast %get3A_263 : vector<1x16xf32> to vector<16xf32>
    %add3A_265 = arith.addf %get3A_259, %get3A_264 : vector<16xf32>
    %swap3A_266 = arith.constant 0 : i32
    %swap3A_267 = arith.index_cast %swap3A_266 : i32 to index
    %swap3A_268 = arith.constant 32 : index
    %swap3A_269 = tpu.vector_load %arg9[%swap3A_267, %swap3A_268] {strides = array<i32>} : memref<4x128xf32, #tpu.memory_space<vmem>>, vector<1x16xf32>,
    %swap3A_270 = vector.shape_cast %swap3A_269 : vector<1x16xf32> to vector<16xf32>
    %swap3A_271 = vector.shape_cast %add3A_265 : vector<16xf32> to vector<1x16xf32>
    tpu.vector_store %arg9[%swap3A_267, %swap3A_268], %swap3A_271 {strides = array<i32>} : memref<4x128xf32, #tpu.memory_space<vmem>>, vector<1x16xf32>,
    %get3A_272 = arith.constant 0 : i32
    %get3A_273 = arith.index_cast %get3A_272 : i32 to index
    %get3A_274 = arith.constant 48 : index
    %get3A_275 = tpu.vector_load %arg9[%get3A_273, %get3A_274] {strides = array<i32>} : memref<4x128xf32, #tpu.memory_space<vmem>>, vector<1x16xf32>,
    %get3A_276 = vector.shape_cast %get3A_275 : vector<1x16xf32> to vector<16xf32>
    %get3A_277 = arith.constant 0 : i32
    %get3A_278 = arith.index_cast %get3A_277 : i32 to index
    %get3A_279 = arith.constant 48 : index
    %get3A_280 = tpu.vector_load %arg10[%get3A_278, %get3A_279] {strides = array<i32>} : memref<4x128xf32, #tpu.memory_space<vmem>>, vector<1x16xf32>,
    %get3A_281 = vector.shape_cast %get3A_280 : vector<1x16xf32> to vector<16xf32>
    %add3A_282 = arith.addf %get3A_276, %get3A_281 : vector<16xf32>
    %swap3A_283 = arith.constant 0 : i32
    %swap3A_284 = arith.index_cast %swap3A_283 : i32 to index
    %swap3A_285 = arith.constant 48 : index
    %swap3A_286 = tpu.vector_load %arg9[%swap3A_284, %swap3A_285] {strides = array<i32>} : memref<4x128xf32, #tpu.memory_space<vmem>>, vector<1x16xf32>,
    %swap3A_287 = vector.shape_cast %swap3A_286 : vector<1x16xf32> to vector<16xf32>
    %swap3A_288 = vector.shape_cast %add3A_282 : vector<16xf32> to vector<1x16xf32>
    tpu.vector_store %arg9[%swap3A_284, %swap3A_285], %swap3A_288 {strides = array<i32>} : memref<4x128xf32, #tpu.memory_space<vmem>>, vector<1x16xf32>,
    %get3A_289 = arith.constant 0 : i32
    %get3A_290 = arith.index_cast %get3A_289 : i32 to index
    %get3A_291 = arith.constant 64 : index
    %get3A_292 = tpu.vector_load %arg9[%get3A_290, %get3A_291] {strides = array<i32>} : memref<4x128xf32, #tpu.memory_space<vmem>>, vector<1x16xf32>,
    %get3A_293 = vector.shape_cast %get3A_292 : vector<1x16xf32> to vector<16xf32>
    %get3A_294 = arith.constant 0 : i32
    %get3A_295 = arith.index_cast %get3A_294 : i32 to index
    %get3A_296 = arith.constant 64 : index
    %get3A_297 = tpu.vector_load %arg10[%get3A_295, %get3A_296] {strides = array<i32>} : memref<4x128xf32, #tpu.memory_space<vmem>>, vector<1x16xf32>,
    %get3A_298 = vector.shape_cast %get3A_297 : vector<1x16xf32> to vector<16xf32>
    %add3A_299 = arith.addf %get3A_293, %get3A_298 : vector<16xf32>
    %swap3A_300 = arith.constant 0 : i32
    %swap3A_301 = arith.index_cast %swap3A_300 : i32 to index
    %swap3A_302 = arith.constant 64 : index
    %swap3A_303 = tpu.vector_load %arg9[%swap3A_301, %swap3A_302] {strides = array<i32>} : memref<4x128xf32, #tpu.memory_space<vmem>>, vector<1x16xf32>,
    %swap3A_304 = vector.shape_cast %swap3A_303 : vector<1x16xf32> to vector<16xf32>
    %swap3A_305 = vector.shape_cast %add3A_299 : vector<16xf32> to vector<1x16xf32>
    tpu.vector_store %arg9[%swap3A_301, %swap3A_302], %swap3A_305 {strides = array<i32>} : memref<4x128xf32, #tpu.memory_space<vmem>>, vector<1x16xf32>,
    %get3A_306 = arith.constant 0 : i32
    %get3A_307 = arith.index_cast %get3A_306 : i32 to index
    %get3A_308 = arith.constant 80 : index
    %get3A_309 = tpu.vector_load %arg9[%get3A_307, %get3A_308] {strides = array<i32>} : memref<4x128xf32, #tpu.memory_space<vmem>>, vector<1x16xf32>,
    %get3A_310 = vector.shape_cast %get3A_309 : vector<1x16xf32> to vector<16xf32>
    %get3A_311 = arith.constant 0 : i32
    %get3A_312 = arith.index_cast %get3A_311 : i32 to index
    %get3A_313 = arith.constant 80 : index
    %get3A_314 = tpu.vector_load %arg10[%get3A_312, %get3A_313] {strides = array<i32>} : memref<4x128xf32, #tpu.memory_space<vmem>>, vector<1x16xf32>,
    %get3A_315 = vector.shape_cast %get3A_314 : vector<1x16xf32> to vector<16xf32>
    %add3A_316 = arith.addf %get3A_310, %get3A_315 : vector<16xf32>
    %swap3A_317 = arith.constant 0 : i32
    %swap3A_318 = arith.index_cast %swap3A_317 : i32 to index
    %swap3A_319 = arith.constant 80 : index
    %swap3A_320 = tpu.vector_load %arg9[%swap3A_318, %swap3A_319] {strides = array<i32>} : memref<4x128xf32, #tpu.memory_space<vmem>>, vector<1x16xf32>,
    %swap3A_321 = vector.shape_cast %swap3A_320 : vector<1x16xf32> to vector<16xf32>
    %swap3A_322 = vector.shape_cast %add3A_316 : vector<16xf32> to vector<1x16xf32>
    tpu.vector_store %arg9[%swap3A_318, %swap3A_319], %swap3A_322 {strides = array<i32>} : memref<4x128xf32, #tpu.memory_space<vmem>>, vector<1x16xf32>,
    %get3A_323 = arith.constant 0 : i32
    %get3A_324 = arith.index_cast %get3A_323 : i32 to index
    %get3A_325 = arith.constant 96 : index
    %get3A_326 = tpu.vector_load %arg9[%get3A_324, %get3A_325] {strides = array<i32>} : memref<4x128xf32, #tpu.memory_space<vmem>>, vector<1x16xf32>,
    %get3A_327 = vector.shape_cast %get3A_326 : vector<1x16xf32> to vector<16xf32>
    %get3A_328 = arith.constant 0 : i32
    %get3A_329 = arith.index_cast %get3A_328 : i32 to index
    %get3A_330 = arith.constant 96 : index
    %get3A_331 = tpu.vector_load %arg10[%get3A_329, %get3A_330] {strides = array<i32>} : memref<4x128xf32, #tpu.memory_space<vmem>>, vector<1x16xf32>,
    %get3A_332 = vector.shape_cast %get3A_331 : vector<1x16xf32> to vector<16xf32>
    %add3A_333 = arith.addf %get3A_327, %get3A_332 : vector<16xf32>
    %swap3A_334 = arith.constant 0 : i32
    %swap3A_335 = arith.index_cast %swap3A_334 : i32 to index
    %swap3A_336 = arith.constant 96 : index
    %swap3A_337 = tpu.vector_load %arg9[%swap3A_335, %swap3A_336] {strides = array<i32>} : memref<4x128xf32, #tpu.memory_space<vmem>>, vector<1x16xf32>,
    %swap3A_338 = vector.shape_cast %swap3A_337 : vector<1x16xf32> to vector<16xf32>
    %swap3A_339 = vector.shape_cast %add3A_333 : vector<16xf32> to vector<1x16xf32>
    tpu.vector_store %arg9[%swap3A_335, %swap3A_336], %swap3A_339 {strides = array<i32>} : memref<4x128xf32, #tpu.memory_space<vmem>>, vector<1x16xf32>,
    %get3A_340 = arith.constant 0 : i32
    %get3A_341 = arith.index_cast %get3A_340 : i32 to index
    %get3A_342 = arith.constant 112 : index
    %get3A_343 = tpu.vector_load %arg9[%get3A_341, %get3A_342] {strides = array<i32>} : memref<4x128xf32, #tpu.memory_space<vmem>>, vector<1x16xf32>,
    %get3A_344 = vector.shape_cast %get3A_343 : vector<1x16xf32> to vector<16xf32>
    %get3A_345 = arith.constant 0 : i32
    %get3A_346 = arith.index_cast %get3A_345 : i32 to index
    %get3A_347 = arith.constant 112 : index
    %get3A_348 = tpu.vector_load %arg10[%get3A_346, %get3A_347] {strides = array<i32>} : memref<4x128xf32, #tpu.memory_space<vmem>>, vector<1x16xf32>,
    %get3A_349 = vector.shape_cast %get3A_348 : vector<1x16xf32> to vector<16xf32>
    %add3A_350 = arith.addf %get3A_344, %get3A_349 : vector<16xf32>
    %swap3A_351 = arith.constant 0 : i32
    %swap3A_352 = arith.index_cast %swap3A_351 : i32 to index
    %swap3A_353 = arith.constant 112 : index
    %swap3A_354 = tpu.vector_load %arg9[%swap3A_352, %swap3A_353] {strides = array<i32>} : memref<4x128xf32, #tpu.memory_space<vmem>>, vector<1x16xf32>,
    %swap3A_355 = vector.shape_cast %swap3A_354 : vector<1x16xf32> to vector<16xf32>
    %swap3A_356 = vector.shape_cast %add3A_350 : vector<16xf32> to vector<1x16xf32>
    tpu.vector_store %arg9[%swap3A_352, %swap3A_353], %swap3A_356 {strides = array<i32>} : memref<4x128xf32, #tpu.memory_space<vmem>>, vector<1x16xf32>,
    %get3A_357 = arith.constant 1 : i32
    %get3A_358 = arith.index_cast %get3A_357 : i32 to index
    %get3A_359 = arith.constant 0 : index
    %get3A_360 = tpu.vector_load %arg9[%get3A_358, %get3A_359] {strides = array<i32>} : memref<4x128xf32, #tpu.memory_space<vmem>>, vector<1x16xf32>,
    %get3A_361 = vector.shape_cast %get3A_360 : vector<1x16xf32> to vector<16xf32>
    %get3A_362 = arith.constant 1 : i32
    %get3A_363 = arith.index_cast %get3A_362 : i32 to index
    %get3A_364 = arith.constant 0 : index
    %get3A_365 = tpu.vector_load %arg10[%get3A_363, %get3A_364] {strides = array<i32>} : memref<4x128xf32, #tpu.memory_space<vmem>>, vector<1x16xf32>,
    %get3A_366 = vector.shape_cast %get3A_365 : vector<1x16xf32> to vector<16xf32>
    %add3A_367 = arith.addf %get3A_361, %get3A_366 : vector<16xf32>
    %swap3A_368 = arith.constant 1 : i32
    %swap3A_369 = arith.index_cast %swap3A_368 : i32 to index
    %swap3A_370 = arith.constant 0 : index
    %swap3A_371 = tpu.vector_load %arg9[%swap3A_369, %swap3A_370] {strides = array<i32>} : memref<4x128xf32, #tpu.memory_space<vmem>>, vector<1x16xf32>,
    %swap3A_372 = vector.shape_cast %swap3A_371 : vector<1x16xf32> to vector<16xf32>
    %swap3A_373 = vector.shape_cast %add3A_367 : vector<16xf32> to vector<1x16xf32>
    tpu.vector_store %arg9[%swap3A_369, %swap3A_370], %swap3A_373 {strides = array<i32>} : memref<4x128xf32, #tpu.memory_space<vmem>>, vector<1x16xf32>,
    %get3A_374 = arith.constant 1 : i32
    %get3A_375 = arith.index_cast %get3A_374 : i32 to index
    %get3A_376 = arith.constant 16 : index
    %get3A_377 = tpu.vector_load %arg9[%get3A_375, %get3A_376] {strides = array<i32>} : memref<4x128xf32, #tpu.memory_space<vmem>>, vector<1x16xf32>,
    %get3A_378 = vector.shape_cast %get3A_377 : vector<1x16xf32> to vector<16xf32>
    %get3A_379 = arith.constant 1 : i32
    %get3A_380 = arith.index_cast %get3A_379 : i32 to index
    %get3A_381 = arith.constant 16 : index
    %get3A_382 = tpu.vector_load %arg10[%get3A_380, %get3A_381] {strides = array<i32>} : memref<4x128xf32, #tpu.memory_space<vmem>>, vector<1x16xf32>,
    %get3A_383 = vector.shape_cast %get3A_382 : vector<1x16xf32> to vector<16xf32>
    %add3A_384 = arith.addf %get3A_378, %get3A_383 : vector<16xf32>
    %swap3A_385 = arith.constant 1 : i32
    %swap3A_386 = arith.index_cast %swap3A_385 : i32 to index
    %swap3A_387 = arith.constant 16 : index
    %swap3A_388 = tpu.vector_load %arg9[%swap3A_386, %swap3A_387] {strides = array<i32>} : memref<4x128xf32, #tpu.memory_space<vmem>>, vector<1x16xf32>,
    %swap3A_389 = vector.shape_cast %swap3A_388 : vector<1x16xf32> to vector<16xf32>
    %swap3A_390 = vector.shape_cast %add3A_384 : vector<16xf32> to vector<1x16xf32>
    tpu.vector_store %arg9[%swap3A_386, %swap3A_387], %swap3A_390 {strides = array<i32>} : memref<4x128xf32, #tpu.memory_space<vmem>>, vector<1x16xf32>,
    %get3A_391 = arith.constant 1 : i32
    %get3A_392 = arith.index_cast %get3A_391 : i32 to index
    %get3A_393 = arith.constant 32 : index
    %get3A_394 = tpu.vector_load %arg9[%get3A_392, %get3A_393] {strides = array<i32>} : memref<4x128xf32, #tpu.memory_space<vmem>>, vector<1x16xf32>,
    %get3A_395 = vector.shape_cast %get3A_394 : vector<1x16xf32> to vector<16xf32>
    %get3A_396 = arith.constant 1 : i32
    %get3A_397 = arith.index_cast %get3A_396 : i32 to index
    %get3A_398 = arith.constant 32 : index
    %get3A_399 = tpu.vector_load %arg10[%get3A_397, %get3A_398] {strides = array<i32>} : memref<4x128xf32, #tpu.memory_space<vmem>>, vector<1x16xf32>,
    %get3A_400 = vector.shape_cast %get3A_399 : vector<1x16xf32> to vector<16xf32>
    %add3A_401 = arith.addf %get3A_395, %get3A_400 : vector<16xf32>
    %swap3A_402 = arith.constant 1 : i32
    %swap3A_403 = arith.index_cast %swap3A_402 : i32 to index
    %swap3A_404 = arith.constant 32 : index
    %swap3A_405 = tpu.vector_load %arg9[%swap3A_403, %swap3A_404] {strides = array<i32>} : memref<4x128xf32, #tpu.memory_space<vmem>>, vector<1x16xf32>,
    %swap3A_406 = vector.shape_cast %swap3A_405 : vector<1x16xf32> to vector<16xf32>
    %swap3A_407 = vector.shape_cast %add3A_401 : vector<16xf32> to vector<1x16xf32>
    tpu.vector_store %arg9[%swap3A_403, %swap3A_404], %swap3A_407 {strides = array<i32>} : memref<4x128xf32, #tpu.memory_space<vmem>>, vector<1x16xf32>,
    %get3A_408 = arith.constant 1 : i32
    %get3A_409 = arith.index_cast %get3A_408 : i32 to index
    %get3A_410 = arith.constant 48 : index
    %get3A_411 = tpu.vector_load %arg9[%get3A_409, %get3A_410] {strides = array<i32>} : memref<4x128xf32, #tpu.memory_space<vmem>>, vector<1x16xf32>,
    %get3A_412 = vector.shape_cast %get3A_411 : vector<1x16xf32> to vector<16xf32>
    %get3A_413 = arith.constant 1 : i32
    %get3A_414 = arith.index_cast %get3A_413 : i32 to index
    %get3A_415 = arith.constant 48 : index
    %get3A_416 = tpu.vector_load %arg10[%get3A_414, %get3A_415] {strides = array<i32>} : memref<4x128xf32, #tpu.memory_space<vmem>>, vector<1x16xf32>,
    %get3A_417 = vector.shape_cast %get3A_416 : vector<1x16xf32> to vector<16xf32>
    %add3A_418 = arith.addf %get3A_412, %get3A_417 : vector<16xf32>
    %swap3A_419 = arith.constant 1 : i32
    %swap3A_420 = arith.index_cast %swap3A_419 : i32 to index
    %swap3A_421 = arith.constant 48 : index
    %swap3A_422 = tpu.vector_load %arg9[%swap3A_420, %swap3A_421] {strides = array<i32>} : memref<4x128xf32, #tpu.memory_space<vmem>>, vector<1x16xf32>,
    %swap3A_423 = vector.shape_cast %swap3A_422 : vector<1x16xf32> to vector<16xf32>
    %swap3A_424 = vector.shape_cast %add3A_418 : vector<16xf32> to vector<1x16xf32>
    tpu.vector_store %arg9[%swap3A_420, %swap3A_421], %swap3A_424 {strides = array<i32>} : memref<4x128xf32, #tpu.memory_space<vmem>>, vector<1x16xf32>,
    %get3A_425 = arith.constant 1 : i32
    %get3A_426 = arith.index_cast %get3A_425 : i32 to index
    %get3A_427 = arith.constant 64 : index
    %get3A_428 = tpu.vector_load %arg9[%get3A_426, %get3A_427] {strides = array<i32>} : memref<4x128xf32, #tpu.memory_space<vmem>>, vector<1x16xf32>,
    %get3A_429 = vector.shape_cast %get3A_428 : vector<1x16xf32> to vector<16xf32>
    %get3A_430 = arith.constant 1 : i32
    %get3A_431 = arith.index_cast %get3A_430 : i32 to index
    %get3A_432 = arith.constant 64 : index
    %get3A_433 = tpu.vector_load %arg10[%get3A_431, %get3A_432] {strides = array<i32>} : memref<4x128xf32, #tpu.memory_space<vmem>>, vector<1x16xf32>,
    %get3A_434 = vector.shape_cast %get3A_433 : vector<1x16xf32> to vector<16xf32>
    %add3A_435 = arith.addf %get3A_429, %get3A_434 : vector<16xf32>
    %swap3A_436 = arith.constant 1 : i32
    %swap3A_437 = arith.index_cast %swap3A_436 : i32 to index
    %swap3A_438 = arith.constant 64 : index
    %swap3A_439 = tpu.vector_load %arg9[%swap3A_437, %swap3A_438] {strides = array<i32>} : memref<4x128xf32, #tpu.memory_space<vmem>>, vector<1x16xf32>,
    %swap3A_440 = vector.shape_cast %swap3A_439 : vector<1x16xf32> to vector<16xf32>
    %swap3A_441 = vector.shape_cast %add3A_435 : vector<16xf32> to vector<1x16xf32>
    tpu.vector_store %arg9[%swap3A_437, %swap3A_438], %swap3A_441 {strides = array<i32>} : memref<4x128xf32, #tpu.memory_space<vmem>>, vector<1x16xf32>,
    %get3A_442 = arith.constant 1 : i32
    %get3A_443 = arith.index_cast %get3A_442 : i32 to index
    %get3A_444 = arith.constant 80 : index
    %get3A_445 = tpu.vector_load %arg9[%get3A_443, %get3A_444] {strides = array<i32>} : memref<4x128xf32, #tpu.memory_space<vmem>>, vector<1x16xf32>,
    %get3A_446 = vector.shape_cast %get3A_445 : vector<1x16xf32> to vector<16xf32>
    %get3A_447 = arith.constant 1 : i32
    %get3A_448 = arith.index_cast %get3A_447 : i32 to index
    %get3A_449 = arith.constant 80 : index
    %get3A_450 = tpu.vector_load %arg10[%get3A_448, %get3A_449] {strides = array<i32>} : memref<4x128xf32, #tpu.memory_space<vmem>>, vector<1x16xf32>,
    %get3A_451 = vector.shape_cast %get3A_450 : vector<1x16xf32> to vector<16xf32>
    %add3A_452 = arith.addf %get3A_446, %get3A_451 : vector<16xf32>
    %swap3A_453 = arith.constant 1 : i32
    %swap3A_454 = arith.index_cast %swap3A_453 : i32 to index
    %swap3A_455 = arith.constant 80 : index
    %swap3A_456 = tpu.vector_load %arg9[%swap3A_454, %swap3A_455] {strides = array<i32>} : memref<4x128xf32, #tpu.memory_space<vmem>>, vector<1x16xf32>,
    %swap3A_457 = vector.shape_cast %swap3A_456 : vector<1x16xf32> to vector<16xf32>
    %swap3A_458 = vector.shape_cast %add3A_452 : vector<16xf32> to vector<1x16xf32>
    tpu.vector_store %arg9[%swap3A_454, %swap3A_455], %swap3A_458 {strides = array<i32>} : memref<4x128xf32, #tpu.memory_space<vmem>>, vector<1x16xf32>,
    %get3A_459 = arith.constant 1 : i32
    %get3A_460 = arith.index_cast %get3A_459 : i32 to index
    %get3A_461 = arith.constant 96 : index
    %get3A_462 = tpu.vector_load %arg9[%get3A_460, %get3A_461] {strides = array<i32>} : memref<4x128xf32, #tpu.memory_space<vmem>>, vector<1x16xf32>,
    %get3A_463 = vector.shape_cast %get3A_462 : vector<1x16xf32> to vector<16xf32>
    %get3A_464 = arith.constant 1 : i32
    %get3A_465 = arith.index_cast %get3A_464 : i32 to index
    %get3A_466 = arith.constant 96 : index
    %get3A_467 = tpu.vector_load %arg10[%get3A_465, %get3A_466] {strides = array<i32>} : memref<4x128xf32, #tpu.memory_space<vmem>>, vector<1x16xf32>,
    %get3A_468 = vector.shape_cast %get3A_467 : vector<1x16xf32> to vector<16xf32>
    %add3A_469 = arith.addf %get3A_463, %get3A_468 : vector<16xf32>
    %swap3A_470 = arith.constant 1 : i32
    %swap3A_471 = arith.index_cast %swap3A_470 : i32 to index
    %swap3A_472 = arith.constant 96 : index
    %swap3A_473 = tpu.vector_load %arg9[%swap3A_471, %swap3A_472] {strides = array<i32>} : memref<4x128xf32, #tpu.memory_space<vmem>>, vector<1x16xf32>,
    %swap3A_474 = vector.shape_cast %swap3A_473 : vector<1x16xf32> to vector<16xf32>
    %swap3A_475 = vector.shape_cast %add3A_469 : vector<16xf32> to vector<1x16xf32>
    tpu.vector_store %arg9[%swap3A_471, %swap3A_472], %swap3A_475 {strides = array<i32>} : memref<4x128xf32, #tpu.memory_space<vmem>>, vector<1x16xf32>,
    %get3A_476 = arith.constant 1 : i32
    %get3A_477 = arith.index_cast %get3A_476 : i32 to index
    %get3A_478 = arith.constant 112 : index
    %get3A_479 = tpu.vector_load %arg9[%get3A_477, %get3A_478] {strides = array<i32>} : memref<4x128xf32, #tpu.memory_space<vmem>>, vector<1x16xf32>,
    %get3A_480 = vector.shape_cast %get3A_479 : vector<1x16xf32> to vector<16xf32>
    %get3A_481 = arith.constant 1 : i32
    %get3A_482 = arith.index_cast %get3A_481 : i32 to index
    %get3A_483 = arith.constant 112 : index
    %get3A_484 = tpu.vector_load %arg10[%get3A_482, %get3A_483] {strides = array<i32>} : memref<4x128xf32, #tpu.memory_space<vmem>>, vector<1x16xf32>,
    %get3A_485 = vector.shape_cast %get3A_484 : vector<1x16xf32> to vector<16xf32>
    %add3A_486 = arith.addf %get3A_480, %get3A_485 : vector<16xf32>
    %swap3A_487 = arith.constant 1 : i32
    %swap3A_488 = arith.index_cast %swap3A_487 : i32 to index
    %swap3A_489 = arith.constant 112 : index
    %swap3A_490 = tpu.vector_load %arg9[%swap3A_488, %swap3A_489] {strides = array<i32>} : memref<4x128xf32, #tpu.memory_space<vmem>>, vector<1x16xf32>,
    %swap3A_491 = vector.shape_cast %swap3A_490 : vector<1x16xf32> to vector<16xf32>
    %swap3A_492 = vector.shape_cast %add3A_486 : vector<16xf32> to vector<1x16xf32>
    tpu.vector_store %arg9[%swap3A_488, %swap3A_489], %swap3A_492 {strides = array<i32>} : memref<4x128xf32, #tpu.memory_space<vmem>>, vector<1x16xf32>,
    %get3A_493 = arith.constant 2 : i32
    %get3A_494 = arith.index_cast %get3A_493 : i32 to index
    %get3A_495 = arith.constant 0 : index
    %get3A_496 = tpu.vector_load %arg9[%get3A_494, %get3A_495] {strides = array<i32>} : memref<4x128xf32, #tpu.memory_space<vmem>>, vector<1x16xf32>,
    %get3A_497 = vector.shape_cast %get3A_496 : vector<1x16xf32> to vector<16xf32>
    %get3A_498 = arith.constant 2 : i32
    %get3A_499 = arith.index_cast %get3A_498 : i32 to index
    %get3A_500 = arith.constant 0 : index
    %get3A_501 = tpu.vector_load %arg10[%get3A_499, %get3A_500] {strides = array<i32>} : memref<4x128xf32, #tpu.memory_space<vmem>>, vector<1x16xf32>,
    %get3A_502 = vector.shape_cast %get3A_501 : vector<1x16xf32> to vector<16xf32>
    %add3A_503 = arith.addf %get3A_497, %get3A_502 : vector<16xf32>
    %swap3A_504 = arith.constant 2 : i32
    %swap3A_505 = arith.index_cast %swap3A_504 : i32 to index
    %swap3A_506 = arith.constant 0 : index
    %swap3A_507 = tpu.vector_load %arg9[%swap3A_505, %swap3A_506] {strides = array<i32>} : memref<4x128xf32, #tpu.memory_space<vmem>>, vector<1x16xf32>,
    %swap3A_508 = vector.shape_cast %swap3A_507 : vector<1x16xf32> to vector<16xf32>
    %swap3A_509 = vector.shape_cast %add3A_503 : vector<16xf32> to vector<1x16xf32>
    tpu.vector_store %arg9[%swap3A_505, %swap3A_506], %swap3A_509 {strides = array<i32>} : memref<4x128xf32, #tpu.memory_space<vmem>>, vector<1x16xf32>,
    %get3A_510 = arith.constant 2 : i32
    %get3A_511 = arith.index_cast %get3A_510 : i32 to index
    %get3A_512 = arith.constant 16 : index
    %get3A_513 = tpu.vector_load %arg9[%get3A_511, %get3A_512] {strides = array<i32>} : memref<4x128xf32, #tpu.memory_space<vmem>>, vector<1x16xf32>,
    %get3A_514 = vector.shape_cast %get3A_513 : vector<1x16xf32> to vector<16xf32>
    %get3A_515 = arith.constant 2 : i32
    %get3A_516 = arith.index_cast %get3A_515 : i32 to index
    %get3A_517 = arith.constant 16 : index
    %get3A_518 = tpu.vector_load %arg10[%get3A_516, %get3A_517] {strides = array<i32>} : memref<4x128xf32, #tpu.memory_space<vmem>>, vector<1x16xf32>,
    %get3A_519 = vector.shape_cast %get3A_518 : vector<1x16xf32> to vector<16xf32>
    %add3A_520 = arith.addf %get3A_514, %get3A_519 : vector<16xf32>
    %swap3A_521 = arith.constant 2 : i32
    %swap3A_522 = arith.index_cast %swap3A_521 : i32 to index
    %swap3A_523 = arith.constant 16 : index
    %swap3A_524 = tpu.vector_load %arg9[%swap3A_522, %swap3A_523] {strides = array<i32>} : memref<4x128xf32, #tpu.memory_space<vmem>>, vector<1x16xf32>,
    %swap3A_525 = vector.shape_cast %swap3A_524 : vector<1x16xf32> to vector<16xf32>
    %swap3A_526 = vector.shape_cast %add3A_520 : vector<16xf32> to vector<1x16xf32>
    tpu.vector_store %arg9[%swap3A_522, %swap3A_523], %swap3A_526 {strides = array<i32>} : memref<4x128xf32, #tpu.memory_space<vmem>>, vector<1x16xf32>,
    %get3A_527 = arith.constant 2 : i32
    %get3A_528 = arith.index_cast %get3A_527 : i32 to index
    %get3A_529 = arith.constant 32 : index
    %get3A_530 = tpu.vector_load %arg9[%get3A_528, %get3A_529] {strides = array<i32>} : memref<4x128xf32, #tpu.memory_space<vmem>>, vector<1x16xf32>,
    %get3A_531 = vector.shape_cast %get3A_530 : vector<1x16xf32> to vector<16xf32>
    %get3A_532 = arith.constant 2 : i32
    %get3A_533 = arith.index_cast %get3A_532 : i32 to index
    %get3A_534 = arith.constant 32 : index
    %get3A_535 = tpu.vector_load %arg10[%get3A_533, %get3A_534] {strides = array<i32>} : memref<4x128xf32, #tpu.memory_space<vmem>>, vector<1x16xf32>,
    %get3A_536 = vector.shape_cast %get3A_535 : vector<1x16xf32> to vector<16xf32>
    %add3A_537 = arith.addf %get3A_531, %get3A_536 : vector<16xf32>
    %swap3A_538 = arith.constant 2 : i32
    %swap3A_539 = arith.index_cast %swap3A_538 : i32 to index
    %swap3A_540 = arith.constant 32 : index
    %swap3A_541 = tpu.vector_load %arg9[%swap3A_539, %swap3A_540] {strides = array<i32>} : memref<4x128xf32, #tpu.memory_space<vmem>>, vector<1x16xf32>,
    %swap3A_542 = vector.shape_cast %swap3A_541 : vector<1x16xf32> to vector<16xf32>
    %swap3A_543 = vector.shape_cast %add3A_537 : vector<16xf32> to vector<1x16xf32>
    tpu.vector_store %arg9[%swap3A_539, %swap3A_540], %swap3A_543 {strides = array<i32>} : memref<4x128xf32, #tpu.memory_space<vmem>>, vector<1x16xf32>,
    %get3A_544 = arith.constant 2 : i32
    %get3A_545 = arith.index_cast %get3A_544 : i32 to index
    %get3A_546 = arith.constant 48 : index
    %get3A_547 = tpu.vector_load %arg9[%get3A_545, %get3A_546] {strides = array<i32>} : memref<4x128xf32, #tpu.memory_space<vmem>>, vector<1x16xf32>,
    %get3A_548 = vector.shape_cast %get3A_547 : vector<1x16xf32> to vector<16xf32>
    %get3A_549 = arith.constant 2 : i32
    %get3A_550 = arith.index_cast %get3A_549 : i32 to index
    %get3A_551 = arith.constant 48 : index
    %get3A_552 = tpu.vector_load %arg10[%get3A_550, %get3A_551] {strides = array<i32>} : memref<4x128xf32, #tpu.memory_space<vmem>>, vector<1x16xf32>,
    %get3A_553 = vector.shape_cast %get3A_552 : vector<1x16xf32> to vector<16xf32>
    %add3A_554 = arith.addf %get3A_548, %get3A_553 : vector<16xf32>
    %swap3A_555 = arith.constant 2 : i32
    %swap3A_556 = arith.index_cast %swap3A_555 : i32 to index
    %swap3A_557 = arith.constant 48 : index
    %swap3A_558 = tpu.vector_load %arg9[%swap3A_556, %swap3A_557] {strides = array<i32>} : memref<4x128xf32, #tpu.memory_space<vmem>>, vector<1x16xf32>,
    %swap3A_559 = vector.shape_cast %swap3A_558 : vector<1x16xf32> to vector<16xf32>
    %swap3A_560 = vector.shape_cast %add3A_554 : vector<16xf32> to vector<1x16xf32>
    tpu.vector_store %arg9[%swap3A_556, %swap3A_557], %swap3A_560 {strides = array<i32>} : memref<4x128xf32, #tpu.memory_space<vmem>>, vector<1x16xf32>,
    %get3A_561 = arith.constant 2 : i32
    %get3A_562 = arith.index_cast %get3A_561 : i32 to index
    %get3A_563 = arith.constant 64 : index
    %get3A_564 = tpu.vector_load %arg9[%get3A_562, %get3A_563] {strides = array<i32>} : memref<4x128xf32, #tpu.memory_space<vmem>>, vector<1x16xf32>,
    %get3A_565 = vector.shape_cast %get3A_564 : vector<1x16xf32> to vector<16xf32>
    %get3A_566 = arith.constant 2 : i32
    %get3A_567 = arith.index_cast %get3A_566 : i32 to index
    %get3A_568 = arith.constant 64 : index
    %get3A_569 = tpu.vector_load %arg10[%get3A_567, %get3A_568] {strides = array<i32>} : memref<4x128xf32, #tpu.memory_space<vmem>>, vector<1x16xf32>,
    %get3A_570 = vector.shape_cast %get3A_569 : vector<1x16xf32> to vector<16xf32>
    %add3A_571 = arith.addf %get3A_565, %get3A_570 : vector<16xf32>
    %swap3A_572 = arith.constant 2 : i32
    %swap3A_573 = arith.index_cast %swap3A_572 : i32 to index
    %swap3A_574 = arith.constant 64 : index
    %swap3A_575 = tpu.vector_load %arg9[%swap3A_573, %swap3A_574] {strides = array<i32>} : memref<4x128xf32, #tpu.memory_space<vmem>>, vector<1x16xf32>,
    %swap3A_576 = vector.shape_cast %swap3A_575 : vector<1x16xf32> to vector<16xf32>
    %swap3A_577 = vector.shape_cast %add3A_571 : vector<16xf32> to vector<1x16xf32>
    tpu.vector_store %arg9[%swap3A_573, %swap3A_574], %swap3A_577 {strides = array<i32>} : memref<4x128xf32, #tpu.memory_space<vmem>>, vector<1x16xf32>,
    %get3A_578 = arith.constant 2 : i32
    %get3A_579 = arith.index_cast %get3A_578 : i32 to index
    %get3A_580 = arith.constant 80 : index
    %get3A_581 = tpu.vector_load %arg9[%get3A_579, %get3A_580] {strides = array<i32>} : memref<4x128xf32, #tpu.memory_space<vmem>>, vector<1x16xf32>,
    %get3A_582 = vector.shape_cast %get3A_581 : vector<1x16xf32> to vector<16xf32>
    %get3A_583 = arith.constant 2 : i32
    %get3A_584 = arith.index_cast %get3A_583 : i32 to index
    %get3A_585 = arith.constant 80 : index
    %get3A_586 = tpu.vector_load %arg10[%get3A_584, %get3A_585] {strides = array<i32>} : memref<4x128xf32, #tpu.memory_space<vmem>>, vector<1x16xf32>,
    %get3A_587 = vector.shape_cast %get3A_586 : vector<1x16xf32> to vector<16xf32>
    %add3A_588 = arith.addf %get3A_582, %get3A_587 : vector<16xf32>
    %swap3A_589 = arith.constant 2 : i32
    %swap3A_590 = arith.index_cast %swap3A_589 : i32 to index
    %swap3A_591 = arith.constant 80 : index
    %swap3A_592 = tpu.vector_load %arg9[%swap3A_590, %swap3A_591] {strides = array<i32>} : memref<4x128xf32, #tpu.memory_space<vmem>>, vector<1x16xf32>,
    %swap3A_593 = vector.shape_cast %swap3A_592 : vector<1x16xf32> to vector<16xf32>
    %swap3A_594 = vector.shape_cast %add3A_588 : vector<16xf32> to vector<1x16xf32>
    tpu.vector_store %arg9[%swap3A_590, %swap3A_591], %swap3A_594 {strides = array<i32>} : memref<4x128xf32, #tpu.memory_space<vmem>>, vector<1x16xf32>,
    %get3A_595 = arith.constant 2 : i32
    %get3A_596 = arith.index_cast %get3A_595 : i32 to index
    %get3A_597 = arith.constant 96 : index
    %get3A_598 = tpu.vector_load %arg9[%get3A_596, %get3A_597] {strides = array<i32>} : memref<4x128xf32, #tpu.memory_space<vmem>>, vector<1x16xf32>,
    %get3A_599 = vector.shape_cast %get3A_598 : vector<1x16xf32> to vector<16xf32>
    %get3A_600 = arith.constant 2 : i32
    %get3A_601 = arith.index_cast %get3A_600 : i32 to index
    %get3A_602 = arith.constant 96 : index
    %get3A_603 = tpu.vector_load %arg10[%get3A_601, %get3A_602] {strides = array<i32>} : memref<4x128xf32, #tpu.memory_space<vmem>>, vector<1x16xf32>,
    %get3A_604 = vector.shape_cast %get3A_603 : vector<1x16xf32> to vector<16xf32>
    %add3A_605 = arith.addf %get3A_599, %get3A_604 : vector<16xf32>
    %swap3A_606 = arith.constant 2 : i32
    %swap3A_607 = arith.index_cast %swap3A_606 : i32 to index
    %swap3A_608 = arith.constant 96 : index
    %swap3A_609 = tpu.vector_load %arg9[%swap3A_607, %swap3A_608] {strides = array<i32>} : memref<4x128xf32, #tpu.memory_space<vmem>>, vector<1x16xf32>,
    %swap3A_610 = vector.shape_cast %swap3A_609 : vector<1x16xf32> to vector<16xf32>
    %swap3A_611 = vector.shape_cast %add3A_605 : vector<16xf32> to vector<1x16xf32>
    tpu.vector_store %arg9[%swap3A_607, %swap3A_608], %swap3A_611 {strides = array<i32>} : memref<4x128xf32, #tpu.memory_space<vmem>>, vector<1x16xf32>,
    %get3A_612 = arith.constant 2 : i32
    %get3A_613 = arith.index_cast %get3A_612 : i32 to index
    %get3A_614 = arith.constant 112 : index
    %get3A_615 = tpu.vector_load %arg9[%get3A_613, %get3A_614] {strides = array<i32>} : memref<4x128xf32, #tpu.memory_space<vmem>>, vector<1x16xf32>,
    %get3A_616 = vector.shape_cast %get3A_615 : vector<1x16xf32> to vector<16xf32>
    %get3A_617 = arith.constant 2 : i32
    %get3A_618 = arith.index_cast %get3A_617 : i32 to index
    %get3A_619 = arith.constant 112 : index
    %get3A_620 = tpu.vector_load %arg10[%get3A_618, %get3A_619] {strides = array<i32>} : memref<4x128xf32, #tpu.memory_space<vmem>>, vector<1x16xf32>,
    %get3A_621 = vector.shape_cast %get3A_620 : vector<1x16xf32> to vector<16xf32>
    %add3A_622 = arith.addf %get3A_616, %get3A_621 : vector<16xf32>
    %swap3A_623 = arith.constant 2 : i32
    %swap3A_624 = arith.index_cast %swap3A_623 : i32 to index
    %swap3A_625 = arith.constant 112 : index
    %swap3A_626 = tpu.vector_load %arg9[%swap3A_624, %swap3A_625] {strides = array<i32>} : memref<4x128xf32, #tpu.memory_space<vmem>>, vector<1x16xf32>,
    %swap3A_627 = vector.shape_cast %swap3A_626 : vector<1x16xf32> to vector<16xf32>
    %swap3A_628 = vector.shape_cast %add3A_622 : vector<16xf32> to vector<1x16xf32>
    tpu.vector_store %arg9[%swap3A_624, %swap3A_625], %swap3A_628 {strides = array<i32>} : memref<4x128xf32, #tpu.memory_space<vmem>>, vector<1x16xf32>,
    %get3A_629 = arith.constant 3 : i32
    %get3A_630 = arith.index_cast %get3A_629 : i32 to index
    %get3A_631 = arith.constant 0 : index
    %get3A_632 = tpu.vector_load %arg9[%get3A_630, %get3A_631] {strides = array<i32>} : memref<4x128xf32, #tpu.memory_space<vmem>>, vector<1x16xf32>,
    %get3A_633 = vector.shape_cast %get3A_632 : vector<1x16xf32> to vector<16xf32>
    %get3A_634 = arith.constant 3 : i32
    %get3A_635 = arith.index_cast %get3A_634 : i32 to index
    %get3A_636 = arith.constant 0 : index
    %get3A_637 = tpu.vector_load %arg10[%get3A_635, %get3A_636] {strides = array<i32>} : memref<4x128xf32, #tpu.memory_space<vmem>>, vector<1x16xf32>,
    %get3A_638 = vector.shape_cast %get3A_637 : vector<1x16xf32> to vector<16xf32>
    %add3A_639 = arith.addf %get3A_633, %get3A_638 : vector<16xf32>
    %swap3A_640 = arith.constant 3 : i32
    %swap3A_641 = arith.index_cast %swap3A_640 : i32 to index
    %swap3A_642 = arith.constant 0 : index
    %swap3A_643 = tpu.vector_load %arg9[%swap3A_641, %swap3A_642] {strides = array<i32>} : memref<4x128xf32, #tpu.memory_space<vmem>>, vector<1x16xf32>,
    %swap3A_644 = vector.shape_cast %swap3A_643 : vector<1x16xf32> to vector<16xf32>
    %swap3A_645 = vector.shape_cast %add3A_639 : vector<16xf32> to vector<1x16xf32>
    tpu.vector_store %arg9[%swap3A_641, %swap3A_642], %swap3A_645 {strides = array<i32>} : memref<4x128xf32, #tpu.memory_space<vmem>>, vector<1x16xf32>,
    %get3A_646 = arith.constant 3 : i32
    %get3A_647 = arith.index_cast %get3A_646 : i32 to index
    %get3A_648 = arith.constant 16 : index
    %get3A_649 = tpu.vector_load %arg9[%get3A_647, %get3A_648] {strides = array<i32>} : memref<4x128xf32, #tpu.memory_space<vmem>>, vector<1x16xf32>,
    %get3A_650 = vector.shape_cast %get3A_649 : vector<1x16xf32> to vector<16xf32>
    %get3A_651 = arith.constant 3 : i32
    %get3A_652 = arith.index_cast %get3A_651 : i32 to index
    %get3A_653 = arith.constant 16 : index
    %get3A_654 = tpu.vector_load %arg10[%get3A_652, %get3A_653] {strides = array<i32>} : memref<4x128xf32, #tpu.memory_space<vmem>>, vector<1x16xf32>,
    %get3A_655 = vector.shape_cast %get3A_654 : vector<1x16xf32> to vector<16xf32>
    %add3A_656 = arith.addf %get3A_650, %get3A_655 : vector<16xf32>
    %swap3A_657 = arith.constant 3 : i32
    %swap3A_658 = arith.index_cast %swap3A_657 : i32 to index
    %swap3A_659 = arith.constant 16 : index
    %swap3A_660 = tpu.vector_load %arg9[%swap3A_658, %swap3A_659] {strides = array<i32>} : memref<4x128xf32, #tpu.memory_space<vmem>>, vector<1x16xf32>,
    %swap3A_661 = vector.shape_cast %swap3A_660 : vector<1x16xf32> to vector<16xf32>
    %swap3A_662 = vector.shape_cast %add3A_656 : vector<16xf32> to vector<1x16xf32>
    tpu.vector_store %arg9[%swap3A_658, %swap3A_659], %swap3A_662 {strides = array<i32>} : memref<4x128xf32, #tpu.memory_space<vmem>>, vector<1x16xf32>,
    %get3A_663 = arith.constant 3 : i32
    %get3A_664 = arith.index_cast %get3A_663 : i32 to index
    %get3A_665 = arith.constant 32 : index
    %get3A_666 = tpu.vector_load %arg9[%get3A_664, %get3A_665] {strides = array<i32>} : memref<4x128xf32, #tpu.memory_space<vmem>>, vector<1x16xf32>,
    %get3A_667 = vector.shape_cast %get3A_666 : vector<1x16xf32> to vector<16xf32>
    %get3A_668 = arith.constant 3 : i32
    %get3A_669 = arith.index_cast %get3A_668 : i32 to index
    %get3A_670 = arith.constant 32 : index
    %get3A_671 = tpu.vector_load %arg10[%get3A_669, %get3A_670] {strides = array<i32>} : memref<4x128xf32, #tpu.memory_space<vmem>>, vector<1x16xf32>,
    %get3A_672 = vector.shape_cast %get3A_671 : vector<1x16xf32> to vector<16xf32>
    %add3A_673 = arith.addf %get3A_667, %get3A_672 : vector<16xf32>
    %swap3A_674 = arith.constant 3 : i32
    %swap3A_675 = arith.index_cast %swap3A_674 : i32 to index
    %swap3A_676 = arith.constant 32 : index
    %swap3A_677 = tpu.vector_load %arg9[%swap3A_675, %swap3A_676] {strides = array<i32>} : memref<4x128xf32, #tpu.memory_space<vmem>>, vector<1x16xf32>,
    %swap3A_678 = vector.shape_cast %swap3A_677 : vector<1x16xf32> to vector<16xf32>
    %swap3A_679 = vector.shape_cast %add3A_673 : vector<16xf32> to vector<1x16xf32>
    tpu.vector_store %arg9[%swap3A_675, %swap3A_676], %swap3A_679 {strides = array<i32>} : memref<4x128xf32, #tpu.memory_space<vmem>>, vector<1x16xf32>,
    %get3A_680 = arith.constant 3 : i32
    %get3A_681 = arith.index_cast %get3A_680 : i32 to index
    %get3A_682 = arith.constant 48 : index
    %get3A_683 = tpu.vector_load %arg9[%get3A_681, %get3A_682] {strides = array<i32>} : memref<4x128xf32, #tpu.memory_space<vmem>>, vector<1x16xf32>,
    %get3A_684 = vector.shape_cast %get3A_683 : vector<1x16xf32> to vector<16xf32>
    %get3A_685 = arith.constant 3 : i32
    %get3A_686 = arith.index_cast %get3A_685 : i32 to index
    %get3A_687 = arith.constant 48 : index
    %get3A_688 = tpu.vector_load %arg10[%get3A_686, %get3A_687] {strides = array<i32>} : memref<4x128xf32, #tpu.memory_space<vmem>>, vector<1x16xf32>,
    %get3A_689 = vector.shape_cast %get3A_688 : vector<1x16xf32> to vector<16xf32>
    %add3A_690 = arith.addf %get3A_684, %get3A_689 : vector<16xf32>
    %swap3A_691 = arith.constant 3 : i32
    %swap3A_692 = arith.index_cast %swap3A_691 : i32 to index
    %swap3A_693 = arith.constant 48 : index
    %swap3A_694 = tpu.vector_load %arg9[%swap3A_692, %swap3A_693] {strides = array<i32>} : memref<4x128xf32, #tpu.memory_space<vmem>>, vector<1x16xf32>,
    %swap3A_695 = vector.shape_cast %swap3A_694 : vector<1x16xf32> to vector<16xf32>
    %swap3A_696 = vector.shape_cast %add3A_690 : vector<16xf32> to vector<1x16xf32>
    tpu.vector_store %arg9[%swap3A_692, %swap3A_693], %swap3A_696 {strides = array<i32>} : memref<4x128xf32, #tpu.memory_space<vmem>>, vector<1x16xf32>,
    %get3A_697 = arith.constant 3 : i32
    %get3A_698 = arith.index_cast %get3A_697 : i32 to index
    %get3A_699 = arith.constant 64 : index
    %get3A_700 = tpu.vector_load %arg9[%get3A_698, %get3A_699] {strides = array<i32>} : memref<4x128xf32, #tpu.memory_space<vmem>>, vector<1x16xf32>,
    %get3A_701 = vector.shape_cast %get3A_700 : vector<1x16xf32> to vector<16xf32>
    %get3A_702 = arith.constant 3 : i32
    %get3A_703 = arith.index_cast %get3A_702 : i32 to index
    %get3A_704 = arith.constant 64 : index
    %get3A_705 = tpu.vector_load %arg10[%get3A_703, %get3A_704] {strides = array<i32>} : memref<4x128xf32, #tpu.memory_space<vmem>>, vector<1x16xf32>,
    %get3A_706 = vector.shape_cast %get3A_705 : vector<1x16xf32> to vector<16xf32>
    %add3A_707 = arith.addf %get3A_701, %get3A_706 : vector<16xf32>
    %swap3A_708 = arith.constant 3 : i32
    %swap3A_709 = arith.index_cast %swap3A_708 : i32 to index
    %swap3A_710 = arith.constant 64 : index
    %swap3A_711 = tpu.vector_load %arg9[%swap3A_709, %swap3A_710] {strides = array<i32>} : memref<4x128xf32, #tpu.memory_space<vmem>>, vector<1x16xf32>,
    %swap3A_712 = vector.shape_cast %swap3A_711 : vector<1x16xf32> to vector<16xf32>
    %swap3A_713 = vector.shape_cast %add3A_707 : vector<16xf32> to vector<1x16xf32>
    tpu.vector_store %arg9[%swap3A_709, %swap3A_710], %swap3A_713 {strides = array<i32>} : memref<4x128xf32, #tpu.memory_space<vmem>>, vector<1x16xf32>,
    %get3A_714 = arith.constant 3 : i32
    %get3A_715 = arith.index_cast %get3A_714 : i32 to index
    %get3A_716 = arith.constant 80 : index
    %get3A_717 = tpu.vector_load %arg9[%get3A_715, %get3A_716] {strides = array<i32>} : memref<4x128xf32, #tpu.memory_space<vmem>>, vector<1x16xf32>,
    %get3A_718 = vector.shape_cast %get3A_717 : vector<1x16xf32> to vector<16xf32>
    %get3A_719 = arith.constant 3 : i32
    %get3A_720 = arith.index_cast %get3A_719 : i32 to index
    %get3A_721 = arith.constant 80 : index
    %get3A_722 = tpu.vector_load %arg10[%get3A_720, %get3A_721] {strides = array<i32>} : memref<4x128xf32, #tpu.memory_space<vmem>>, vector<1x16xf32>,
    %get3A_723 = vector.shape_cast %get3A_722 : vector<1x16xf32> to vector<16xf32>
    %add3A_724 = arith.addf %get3A_718, %get3A_723 : vector<16xf32>
    %swap3A_725 = arith.constant 3 : i32
    %swap3A_726 = arith.index_cast %swap3A_725 : i32 to index
    %swap3A_727 = arith.constant 80 : index
    %swap3A_728 = tpu.vector_load %arg9[%swap3A_726, %swap3A_727] {strides = array<i32>} : memref<4x128xf32, #tpu.memory_space<vmem>>, vector<1x16xf32>,
    %swap3A_729 = vector.shape_cast %swap3A_728 : vector<1x16xf32> to vector<16xf32>
    %swap3A_730 = vector.shape_cast %add3A_724 : vector<16xf32> to vector<1x16xf32>
    tpu.vector_store %arg9[%swap3A_726, %swap3A_727], %swap3A_730 {strides = array<i32>} : memref<4x128xf32, #tpu.memory_space<vmem>>, vector<1x16xf32>,
    %get3A_731 = arith.constant 3 : i32
    %get3A_732 = arith.index_cast %get3A_731 : i32 to index
    %get3A_733 = arith.constant 96 : index
    %get3A_734 = tpu.vector_load %arg9[%get3A_732, %get3A_733] {strides = array<i32>} : memref<4x128xf32, #tpu.memory_space<vmem>>, vector<1x16xf32>,
    %get3A_735 = vector.shape_cast %get3A_734 : vector<1x16xf32> to vector<16xf32>
    %get3A_736 = arith.constant 3 : i32
    %get3A_737 = arith.index_cast %get3A_736 : i32 to index
    %get3A_738 = arith.constant 96 : index
    %get3A_739 = tpu.vector_load %arg10[%get3A_737, %get3A_738] {strides = array<i32>} : memref<4x128xf32, #tpu.memory_space<vmem>>, vector<1x16xf32>,
    %get3A_740 = vector.shape_cast %get3A_739 : vector<1x16xf32> to vector<16xf32>
    %add3A_741 = arith.addf %get3A_735, %get3A_740 : vector<16xf32>
    %swap3A_742 = arith.constant 3 : i32
    %swap3A_743 = arith.index_cast %swap3A_742 : i32 to index
    %swap3A_744 = arith.constant 96 : index
    %swap3A_745 = tpu.vector_load %arg9[%swap3A_743, %swap3A_744] {strides = array<i32>} : memref<4x128xf32, #tpu.memory_space<vmem>>, vector<1x16xf32>,
    %swap3A_746 = vector.shape_cast %swap3A_745 : vector<1x16xf32> to vector<16xf32>
    %swap3A_747 = vector.shape_cast %add3A_741 : vector<16xf32> to vector<1x16xf32>
    tpu.vector_store %arg9[%swap3A_743, %swap3A_744], %swap3A_747 {strides = array<i32>} : memref<4x128xf32, #tpu.memory_space<vmem>>, vector<1x16xf32>,
    %get3A_748 = arith.constant 3 : i32
    %get3A_749 = arith.index_cast %get3A_748 : i32 to index
    %get3A_750 = arith.constant 112 : index
    %get3A_751 = tpu.vector_load %arg9[%get3A_749, %get3A_750] {strides = array<i32>} : memref<4x128xf32, #tpu.memory_space<vmem>>, vector<1x16xf32>,
    %get3A_752 = vector.shape_cast %get3A_751 : vector<1x16xf32> to vector<16xf32>
    %get3A_753 = arith.constant 3 : i32
    %get3A_754 = arith.index_cast %get3A_753 : i32 to index
    %get3A_755 = arith.constant 112 : index
    %get3A_756 = tpu.vector_load %arg10[%get3A_754, %get3A_755] {strides = array<i32>} : memref<4x128xf32, #tpu.memory_space<vmem>>, vector<1x16xf32>,
    %get3A_757 = vector.shape_cast %get3A_756 : vector<1x16xf32> to vector<16xf32>
    %add3A_758 = arith.addf %get3A_752, %get3A_757 : vector<16xf32>
    %swap3A_759 = arith.constant 3 : i32
    %swap3A_760 = arith.index_cast %swap3A_759 : i32 to index
    %swap3A_761 = arith.constant 112 : index
    %swap3A_762 = tpu.vector_load %arg9[%swap3A_760, %swap3A_761] {strides = array<i32>} : memref<4x128xf32, #tpu.memory_space<vmem>>, vector<1x16xf32>,
    %swap3A_763 = vector.shape_cast %swap3A_762 : vector<1x16xf32> to vector<16xf32>
    %swap3A_764 = vector.shape_cast %add3A_758 : vector<16xf32> to vector<1x16xf32>
    tpu.vector_store %arg9[%swap3A_760, %swap3A_761], %swap3A_764 {strides = array<i32>} : memref<4x128xf32, #tpu.memory_space<vmem>>, vector<1x16xf32>,
    %mul3A_765 = arith.constant 4 : i32
    %mul3A_766 = arith.muli %add3A, %mul3A_765 : i32
    "tpu.region"() ({
      %run_scoped3A = tpu.sem_alloc : memref<!tpu.dma_semaphore, #tpu.memory_space<semaphore_mem>>
      %dma_start3A_767 = arith.constant 0 : i32
      %dma_start3A_768 = tpu.memref_slice %arg6[%mul3A_766, %dma_start3A_767] : memref<128x128xf32, #tpu.memory_space<hbm>> -> memref<4x128xf32, #tpu.memory_space<hbm>>
      %dma_start3A_769 = arith.constant 0 : i32
      %dma_start3A_770 = tpu.memref_slice %arg6[%mul3A_766, %dma_start3A_769] : memref<128x128xf32, #tpu.memory_space<hbm>> -> memref<4x128xf32, #tpu.memory_space<hbm>>
      tpu.enqueue_dma source(%arg9 : memref<4x128xf32, #tpu.memory_space<vmem>>) target(%dma_start3A_770 : memref<4x128xf32, #tpu.memory_space<hbm>>) target_semaphore(%run_scoped3A : memref<!tpu.dma_semaphore, #tpu.memory_space<semaphore_mem>>)
      %dma_wait3A_771 = arith.constant 0 : i32
      %dma_wait3A_772 = tpu.memref_slice %arg6[%mul3A_766, %dma_wait3A_771] : memref<128x128xf32, #tpu.memory_space<hbm>> -> memref<4x128xf32, #tpu.memory_space<hbm>>
      %dma_wait3A_773 = arith.constant 0 : i32
      %dma_wait3A_774 = tpu.memref_slice %arg6[%mul3A_766, %dma_wait3A_773] : memref<128x128xf32, #tpu.memory_space<hbm>> -> memref<4x128xf32, #tpu.memory_space<hbm>>
      tpu.wait_dma2 semaphore(%run_scoped3A : memref<!tpu.dma_semaphore, #tpu.memory_space<semaphore_mem>>) src(%arg9 : memref<4x128xf32, #tpu.memory_space<vmem>>) dst(%dma_wait3A_774 : memref<4x128xf32, #tpu.memory_space<hbm>>)
      tpu.yield
    }) : () -> ()
    return
  }
}

module attributes {stable_mosaic.version = 14 : i64} {
  func.func @_tc_dense_body(%arg0: i32, %arg1: memref<8192x128xf32, #tpu.memory_space<vmem>>, %arg2: memref<8192x128xf32, #tpu.memory_space<vmem>>, %arg3: memref<128x1xf32, #tpu.memory_space<vmem>>, %arg4: memref<128x1xf32, #tpu.memory_space<vmem>>, %arg5: memref<64x128xf32, #tpu.memory_space<vmem>>) attributes {dimension_semantics = [#tpu.dimension_semantics<arbitrary>], iteration_bounds = array<i64: 2>, scalar_prefetch = 0 : i64, scratch_operands = 0 : i64, tpu.core_type = #tpu.core_type<tc>, window_params = [{transform_indices = @transform_0, window_bounds = array<i64: 8192, 128>}, {transform_indices = @transform_1, window_bounds = array<i64: 8192, 128>}, {pipeline_mode = #tpu.pipeline_mode<synchronous>, transform_indices = @transform_2, window_bounds = array<i64: 128, 1>}, {pipeline_mode = #tpu.pipeline_mode<synchronous>, transform_indices = @transform_3, window_bounds = array<i64: 128, 1>}, {transform_indices = @transform_4, window_bounds = array<i64: 64, 128>}]} {
    %get3A = arith.constant 0 : index
    %get3A_0 = arith.constant 0 : index
    %get3A_1 = vector.load %arg1[%get3A, %get3A_0] : memref<8192x128xf32, #tpu.memory_space<vmem>>, vector<8192x128xf32>
    %get3A_2 = arith.constant 0 : index
    %get3A_3 = arith.constant 0 : index
    %get3A_4 = vector.load %arg3[%get3A_2, %get3A_3] : memref<128x1xf32, #tpu.memory_space<vmem>>, vector<128x1xf32>
    %dot_general3A = arith.constant dense<0.000000e+00> : vector<8192x1xf32>
    %dot_general3A_5 = tpu.matmul %get3A_1, %get3A_4, %dot_general3A {dimension_numbers = #tpu.dot_dimension_numbers<[1], [0], [0], [1], [0, 0, 1, 1], [], []>, transpose_lhs_hint = false} : vector<8192x128xf32>, vector<128x1xf32>, vector<8192x1xf32> -> vector<8192x1xf32>
    %get3A_6 = arith.constant 0 : index
    %get3A_7 = arith.constant 0 : index
    %get3A_8 = vector.load %arg2[%get3A_6, %get3A_7] : memref<8192x128xf32, #tpu.memory_space<vmem>>, vector<8192x128xf32>
    %get3A_9 = arith.constant 0 : index
    %get3A_10 = arith.constant 0 : index
    %get3A_11 = vector.load %arg4[%get3A_9, %get3A_10] : memref<128x1xf32, #tpu.memory_space<vmem>>, vector<128x1xf32>
    %dot_general3A_12 = arith.constant dense<0.000000e+00> : vector<8192x1xf32>
    %dot_general3A_13 = tpu.matmul %get3A_8, %get3A_11, %dot_general3A_12 {dimension_numbers = #tpu.dot_dimension_numbers<[1], [0], [0], [1], [0, 0, 1, 1], [], []>, transpose_lhs_hint = false} : vector<8192x128xf32>, vector<128x1xf32>, vector<8192x1xf32> -> vector<8192x1xf32>
    %add3A = arith.addf %dot_general3A_5, %dot_general3A_13 : vector<8192x1xf32>
    %reshape3A = vector.shape_cast %add3A : vector<8192x1xf32> to vector<64x128xf32>
    %swap3A = arith.constant 0 : index
    %swap3A_14 = arith.constant 0 : index
    %swap3A_15 = vector.load %arg5[%swap3A, %swap3A_14] : memref<64x128xf32, #tpu.memory_space<vmem>>, vector<64x128xf32>
    tpu.vector_store %arg5[%swap3A, %swap3A_14], %reshape3A {strides = array<i32>} : memref<64x128xf32, #tpu.memory_space<vmem>>, vector<64x128xf32>,
    return
  }
  func.func @transform_0(%arg0: i32) -> (i32, i32) {
    %c0_i32 = arith.constant 0 : i32
    %c0_i32_0 = arith.constant 0 : i32
    return %arg0, %c0_i32 : i32, i32
  }
  func.func @transform_1(%arg0: i32) -> (i32, i32) {
    %c0_i32 = arith.constant 0 : i32
    %c0_i32_0 = arith.constant 0 : i32
    return %arg0, %c0_i32 : i32, i32
  }
  func.func @transform_2(%arg0: i32) -> (i32, i32) {
    %c0_i32 = arith.constant 0 : i32
    %c0_i32_0 = arith.constant 0 : i32
    %c0_i32_1 = arith.constant 0 : i32
    return %c0_i32, %c0_i32_0 : i32, i32
  }
  func.func @transform_3(%arg0: i32) -> (i32, i32) {
    %c0_i32 = arith.constant 0 : i32
    %c0_i32_0 = arith.constant 0 : i32
    %c0_i32_1 = arith.constant 0 : i32
    return %c0_i32, %c0_i32_0 : i32, i32
  }
  func.func @transform_4(%arg0: i32) -> (i32, i32) {
    %c0_i32 = arith.constant 0 : i32
    %c0_i32_0 = arith.constant 0 : i32
    return %arg0, %c0_i32 : i32, i32
  }
}

module attributes {stable_mosaic.version = 14 : i64} {
  func.func @_tc_combine_body(%arg0: memref<128x128xf32, #tpu.memory_space<vmem>>, %arg1: memref<128x128xf32, #tpu.memory_space<vmem>>, %arg2: memref<1xf32, #tpu.memory_space<smem>>, %arg3: memref<128x128xf32, #tpu.memory_space<vmem>>) attributes {dimension_semantics = [], scalar_prefetch = 0 : i64, scratch_operands = 0 : i64, tpu.core_type = #tpu.core_type<tc>} {
    %get3A = arith.constant 0 : index
    %get3A_0 = arith.constant 0 : index
    %get3A_1 = vector.load %arg0[%get3A, %get3A_0] : memref<128x128xf32, #tpu.memory_space<vmem>>, vector<128x128xf32>
    %get3A_2 = arith.constant 0 : index
    %get3A_3 = arith.constant 0 : index
    %get3A_4 = vector.load %arg1[%get3A_2, %get3A_3] : memref<128x128xf32, #tpu.memory_space<vmem>>, vector<128x128xf32>
    %add3A = arith.addf %get3A_1, %get3A_4 : vector<128x128xf32>
    %get3A_5 = arith.constant 0 : index
    %get3A_6 = memref.load %arg2[%get3A_5] : memref<1xf32, #tpu.memory_space<smem>>
    %add3A_7 = vector.broadcast %get3A_6 : f32 to vector<128x128xf32>
    %add3A_8 = arith.addf %add3A, %add3A_7 : vector<128x128xf32>
    %swap3A = arith.constant 0 : index
    %swap3A_9 = arith.constant 0 : index
    %swap3A_10 = vector.load %arg3[%swap3A, %swap3A_9] : memref<128x128xf32, #tpu.memory_space<vmem>>, vector<128x128xf32>
    tpu.vector_store %arg3[%swap3A, %swap3A_9], %add3A_8 {strides = array<i32>} : memref<128x128xf32, #tpu.memory_space<vmem>>, vector<128x128xf32>,
    return
  }
}

</mosaic_0001>

<sc_bundles>
// kernel: kernel.5.cloned.1.call-start
scs
__scs_entry_jumppad:
0x0: {  	(pc) =	sbr.rel $0x88, $3  }
0x1: {  	(tag) =	ssettag $0x0;
	lr =	simm.s32 $0x1  }
0x2: {  	[smem:$0x3F96] =	sst lr;
	_ =	strace $0xD0000000  }
0x3: {  	_ = 	snop  }
0x4: {  	_ = 	snop  }
0x5: {  	_ = 	snop  }
0x6: {  	_ = 	snop  }
0x7: {  	_ = 	snop  }
__scs_overlays_trampoline_lowered:
0x8: {  	[smem:$0x3FA5] =	sst s0  }
0x9: {  	[smem:$0x3FA6] =	sst s1  }
0xa: {  	[smem:$0x3FA7] =	sst s2  }
0xb: {  	[smem:$0x3FA8] =	sst s3  }
0xc: {  	[smem:$0x3FA9] =	sst s4  }
0xd: {  	[smem:$0x3FAA] =	sst s5  }
0xe: {  	[smem:$0x3FAB] =	sst s6  }
0xf: {  	[smem:$0x3FAC] =	sst s7  }
0x10: {  	[smem:$0x3FAD] =	sst s8  }
0x11: {  	[smem:$0x3FAE] =	sst s9;
	s0 =	simm.s32 @!p0 $0x0  }
0x12: {  	s1 =	sld [smem:$0x3F94];
	s0 =	simm.s32 @p0 $0x1  }
0x13: {  	[smem:$0x3FAF] =	sst s0;
	s0 =	simm.s32 @!p1 $0x0  }
0x14: {  	s2 =	sld [smem:$0x3F93];
	s0 =	simm.s32 @p1 $0x1  }
0x15: {  	[smem:$0x3FB0] =	sst s0;
	s0 =	simm.s32 @!p2 $0x0  }
0x16: {  	s3 =	sld [smem:$0x3FDB];
	s0 =	simm.s32 @p2 $0x1  }
0x17: {  	s4 =	simm.s32 $0x1BF5;
	[smem:$0x3FB2] =	sst s0  }
0x18: {  	s0 =	sld [smem:$0x3F95];
	_ =	swait.ge [sflag:s4], $0x0  }
0x19: {  	s7 =	sld [smem:$0x3F96]  }
0x1a: {  	s8 =	sadd.s32 $0xFFFFE003, lr  }
0x1b: {  	s9 =	sadd.s32 $0xFFFFFEF7, lr;
	s5 =	simm.s32 $0xFFFFFFFF;
	p2 =	slt.u32 s8, $0xFFFFF086  }
0x1c: {  	p1 =	slt.u32 s9, $0xF7A;
	s5 =	simm.s32 @!p2 $0x0  }
0x1d: {  	s5 =	simm.s32 @p1 $0x1;
	p0 =	seq.s32 s7, s2  }
0x1e: {  	s7 =	smul.u32 @!p0 $0xF7A, s2;
	p2 =	seq.s32 @!p0 s5, $0x0  }
0x1f: {  	s9 =	smul.u32 $0xF7A, s1;
	s8 =	simm.s32 @!p0 $0x1BF5;
	p2 =	por !p2, p0  }
0x20: {  	[sflag:s8] =	ssyncset.s32 @!p0 $0xFFFFF086;
	s6 =	sadd.s32 @!p0 s3, s7;
	s7 =	simm.s32 @!p0 $0x108  }
0x21: {  	s3 =	sadd.s32 s3, s9;
	s6 =	sadd.s32 @!p0 $0x88, s6;
	s7 =	simm.s32 @p2 $0x1082  }
0x22: {  	[simem:s7], [sflag:s8] =	dma.local @!p0 [hbm:s6], $0xF7A  }
0x23: {  	s9 =	sor.u32 $0xD0000000, s2;
	s6 =	simm.s32 $0x108;
	_ =	swait.ge @!p0 [sflag:s8], $0x0  }
0x24: {  	s3 =	sadd.s32 $0x88, s3;
	s6 =	simm.s32 @!p1 $0x1082;
	[sflag:s4] =	ssyncset.s32 $0xFFFFF086  }
0x25: {  	[simem:s6], [sflag:s4] =	dma.local [hbm:s3], $0xF7A  }
0x26: {  	[smem:$0x3F96] =	sst s1;
	(tag) =	ssettag s2;
	_ =	strace s9  }
0x27: {  	s1 =	sld [smem:$0x3FA6]  }
0x28: {  	s2 =	sld [smem:$0x3FA7]  }
0x29: {  	s4 =	sld [smem:$0x3FA9]  }
0x2a: {  	p0 =	seq.s32 s5, $0x0;
	s5 =	sld [smem:$0x3FAA]  }
0x2b: {  	s6 =	sld [smem:$0x3FAB]  }
0x2c: {  	s7 =	sld [smem:$0x3FAC]  }
0x2d: {  	s3 =	simm.s32 $0x108;
	s8 =	sld [smem:$0x3FAD]  }
0x2e: {  	s3 =	simm.s32 @!p0 $0x1082;
	s9 =	sld [smem:$0x3FAE]  }
0x2f: {  	lr =	sadd.s32 s0, s3;
	s0 =	sld [smem:$0x3FA5]  }
0x30: {  	s3 =	sld [smem:$0x3FA8]  }
0x31: {  	[smem:$0x3FB1] =	sst s10  }
0x32: {  	s10 =	sld [smem:$0x3FAF];
	_ =	sdelay $0x3  }
0x33: {  	p0 =	seq.s32 s10, $0x1;
	s10 =	sld [smem:$0x3FB1];
	_ =	sdelay $0x3  }
0x34: {  	[smem:$0x3FB1] =	sst s10  }
0x35: {  	s10 =	sld [smem:$0x3FB0];
	_ =	sdelay $0x3  }
0x36: {  	p1 =	seq.s32 s10, $0x1;
	s10 =	sld [smem:$0x3FB1];
	_ =	sdelay $0x3  }
0x37: {  	[smem:$0x3FB1] =	sst s10  }
0x38: {  	s10 =	sld [smem:$0x3FB2]  }
0x39: {  	_ = 	snop;
	(pc) =	sbr.ind lr, $3  }
0x3a: {  	_ = 	snop  }
0x3b: {  	_ = 	snop  }
0x3c: {  	p2 =	seq.s32 s10, $0x1;
	s10 =	sld [smem:$0x3FB1]  }
0x3d: {  	_ =	shalt  }
0x3e: {  	_ =	shalt  }
0x3f: {  	_ =	shalt  }
0x40: {  	_ =	shalt  }
0x41: {  	_ =	shalt  }
0x42: {  	_ =	shalt  }
0x43: {  	_ =	shalt  }
0x44: {  	_ =	shalt  }
0x45: {  	_ =	shalt  }
0x46: {  	_ =	shalt  }
0x47: {  	_ =	shalt  }
0x48: {  	_ =	shalt  }
0x49: {  	_ =	shalt  }
0x4a: {  	_ =	shalt  }
0x4b: {  	_ =	shalt  }
0x4c: {  	_ =	shalt  }
0x4d: {  	_ =	shalt  }
0x4e: {  	_ =	shalt  }
0x4f: {  	_ =	shalt  }
0x50: {  	_ =	shalt  }
0x51: {  	_ =	shalt  }
0x52: {  	_ =	shalt  }
0x53: {  	_ =	shalt  }
0x54: {  	_ =	shalt  }
0x55: {  	_ =	shalt  }
0x56: {  	_ =	shalt  }
0x57: {  	_ =	shalt  }
0x58: {  	_ =	shalt  }
0x59: {  	_ =	shalt  }
0x5a: {  	_ =	shalt  }
0x5b: {  	_ =	shalt  }
0x5c: {  	_ =	shalt  }
0x5d: {  	_ =	shalt  }
0x5e: {  	_ =	shalt  }
0x5f: {  	_ =	shalt  }
0x60: {  	_ =	shalt  }
0x61: {  	_ =	shalt  }
0x62: {  	_ =	shalt  }
0x63: {  	_ =	shalt  }
0x64: {  	_ =	shalt  }
0x65: {  	_ =	shalt  }
0x66: {  	_ =	shalt  }
0x67: {  	_ =	shalt  }
0x68: {  	_ =	shalt  }
0x69: {  	_ =	shalt  }
0x6a: {  	_ =	shalt  }
0x6b: {  	_ =	shalt  }
0x6c: {  	_ =	shalt  }
0x6d: {  	_ =	shalt  }
0x6e: {  	_ =	shalt  }
0x6f: {  	_ =	shalt  }
0x70: {  	_ =	shalt  }
0x71: {  	_ =	shalt  }
0x72: {  	_ =	shalt  }
0x73: {  	_ =	shalt  }
0x74: {  	_ =	shalt  }
0x75: {  	_ =	shalt  }
0x76: {  	_ =	shalt  }
0x77: {  	_ =	shalt  }
0x78: {  	_ =	shalt  }
0x79: {  	_ =	shalt  }
0x7a: {  	_ =	shalt  }
0x7b: {  	_ =	shalt  }
0x7c: {  	_ =	shalt  }
0x7d: {  	_ =	shalt  }
0x7e: {  	_ =	shalt  }
0x7f: {  	_ =	shalt  }
0x80: {  	_ =	shalt  }
0x81: {  	_ =	shalt  }
0x82: {  	_ =	shalt  }
0x83: {  	_ =	shalt  }
0x84: {  	_ =	shalt  }
0x85: {  	_ =	shalt  }
0x86: {  	_ =	shalt  }
0x87: {  	_ =	shalt  }
.Lfunc_end0:
.L_simem_size_0:
called_computation_lowered:
.L_overlay_start_0:
0x88: {  	s2 =	sld [smem:$0x3FD9]  }
0x89: {  	s3 =	sld [smem:$0x3FFE];
	_ =	sdelay $0x1  }
0x8a: {  	s1 =	srdreg.scid  }
0x8b: {  	s0 =	sand.u32 $0x1, s1  }
0x8c: {  	s18 =	sshll.u32 s0, $0xA;
	s2 =	sadd.s32 s3, s2  }
0x8d: {  	s2 =	sadd.s32 s2, s18  }
0x8e: {  	[smem:$0x3FBD] =	sst s2  }
0x8f: {  	_ = 	snop  }
0x90: {  	s2 =	sld [smem:$0x3FC7]  }
0x91: {  	s19 =	sld [smem:$0x3FC6]  }
0x92: {  	s4 =	sld [smem:$0x3FC1]  }
0x93: {  	s5 =	sld [smem:$0x3FC0]  }
0x94: {  	s6 =	sld [smem:$0x3FD0];
	(tm) =	ssettm $0x1  }
0x95: {  	s7 =	sld [smem:$0x3FFB];
	_ =	sdelay $0x3  }
0x96: {  	_ =	strace s7  }
0x97: {  	s7 =	sld [smem:$0x3FFC];
	_ =	sdelay $0x3  }
0x98: {  	_ =	strace s7  }
0x99: {  	s7 =	sld [smem:$0x3FFD];
	_ =	sdelay $0x3  }
0x9a: {  	_ =	strace s7  }
0x9b: {  	_ =	strace $0x8FFFFFFF  }
0x9c: {  	s20 =	sld [smem:$0x3FDB];
	_ =	sdelay $0x1  }
0x9d: {  	s8 =	simm.s32 $_scs_section_size  }
0x9e: {  	s9 =	simm.s32 $_size__tile_overlayer_lowered;
	s10 =	simm.s32 $_tile_overlayer_lowered  }
0x9f: {  	s23 =	simm.s32 $0x1BFF;
	s22 =	sshll.u32 s10, $0x1;
	s7 =	sadd.s32 s8, s20  }
0xa0: {  	s11 =	simm.s32 $0x0;
	s21 =	sshll.u32 s9, $0x1;
	s9 =	sadd.s32 s22, s7  }
0xa1: {  	[timem:s11], [sflag:s23] =	dma.local [hbm:s9], s21  }
0xa2: {  	_ =	swait.ge [sflag:s23], s21  }
0xa3: {  	s8 =	ssub.s32 $0x0, s21;
	[sflag:s23] =	ssyncset.done $0x0  }
0xa4: {  	[sflag:s23] =	ssyncadd.s32 s8;
	_ =	sdelay $0x1  }
0xa5: {  	s24 =	simm.s32 $0x1B8B  }
0xa6: {  	_ =	swait.ge [sflag:s24], $0x1  }
0xa7: {  	[sflag:s24] =	ssyncset.done $0x0  }
0xa8: {  	s25 =	simm.s32 $0x1B8E;
	[sflag:s24] =	ssyncadd.s32 $0xFFFFFFFF  }
0xa9: {  	s26 =	simm.s32 $execute0_lowered;
	[smem:$0x3FD2] =	sst s25  }
0xaa: {  	s8 =	sshll.u32 s26, $0x1;
	_ =	strace $0x80000046;
	[dreg:$0x1] =	wrdreg $0xFFFFFFFF  }
0xab: {  	s28 =	simm.s32 $_size_execute0_lowered;
	s7 =	sadd.s32 s7, s8;
	[dreg:$0x0] =	wrdreg $0x0  }
0xac: {  	s8 =	sshll.u32 s28, $0x1;
	[dreg:$0x2] =	wrdreg s7  }
0xad: {  	[dreg:$0x3] =	wrdreg s8  }
0xae: {  	[dreg:$0x4] =	wrdreg $0xC0  }
0xaf: {  	_ =	task [dreg:s11], $0x5FFFF  }
0xb0: {  	[dreg:$0x1] =	wrdreg $0xFFFFFFFF  }
0xb1: {  	[dreg:$0x0] =	wrdreg $0x60  }
0xb2: {  	[dreg:$0x2] =	wrdreg s2  }
0xb3: {  	[dreg:$0x3] =	wrdreg s19  }
0xb4: {  	[dreg:$0x4] =	wrdreg s4  }
0xb5: {  	[dreg:$0x5] =	wrdreg s5  }
0xb6: {  	[dreg:$0x6] =	wrdreg s6  }
0xb7: {  	[dreg:$0x7] =	wrdreg $0x9  }
0xb8: {  	_ =	task.clear_ibuf [dreg:s11], $0x8FFFF;
	_ =	strace $0x90000046  }
0xb9: {  	s29 =	simm.s32 $0x9;
	_ =	strace $0x80000048  }
0xba: {  	_ =	swait.ge [sflag:s29], $0x1  }
0xbb: {  	[sflag:s29] =	ssyncadd.s32 $0xFFFFFFFF  }
0xbc: {  	_ =	strace $0x90000048  }
0xbd: {  	_ =	sfence  }
0xbe: {  	s30 =	sld [smem:$0x0];
	_ =	sdelay $0x2  }
0xbf: {  	s31 =	sshll.u32 s1, $0xD;
	s1 =	sshrl.u32 s1, $0x2  }
0xc0: {  	s3 =	sand.u32 $0x4000, s31;
	s1 =	sadd.s32 s1, s30  }
0xc1: {  	s0 =	sor.u32 s3, s0;
	s1 =	sshll.u32 s1, $0x11  }
0xc2: {  	s0 =	sor.u32 s1, s0  }
0xc3: {  	s0 =	sadd.s32 $0x8F2B, s0  }
0xc4: {  	[sflag:s0] =	ssyncadd.remote.s32 $0x1  }
0xc5: {  	_ =	sfence.sel $0xFFFF  }
0xc6: {  	[dreg:$0x0] =	wrdreg $0xFFFFFFFF;
	(pc) =	sbr.abs _section_cstart, $3  }
0xc7: {  	[dreg:$0x1] =	wrdreg $0xFFFFFFFF  }
0xc8: {  	_ =	task.clear_ibuf [dreg:s11], $0x2FFFF;
	_ =	strace $0x9FFFFFFF  }
0xc9: {  	(tm) =	ssettm $0x7FFFFFFF  }
tec
execute0_lowered:
.L_overlay_start_1:
0x0: {  	(tag) =	ssettag $0x1  }
0x1: {  	s5 =	rddreg [dreg:$0x0]  }
0x2: {  	s6 =	rddreg [dreg:$0x1]  }
0x3: {  	s1 =	rddreg [dreg:$0x2]  }
0x4: {  	s2 =	rddreg [dreg:$0x3]  }
0x5: {  	s7 =	rddreg [dreg:$0x4]  }
0x6: {  	s0 =	rddreg [dreg:$0x5];
	s4 =	simm.s32 $0x0;
	s8 =	srdreg.scid  }
0x7: {  	s3 =	stileid.u32;
	s13 =	simm.s32 $0x600;
	s14 =	simm.s32 $0x480  }
0x8: {  	s15 =	simm.s32 $0x280;
	s16 =	simm.s32 $0x680;
	s17 =	simm.s32 $0x100  }
0x9: {  	s18 =	simm.s32 $0x500;
	s19 =	simm.s32 $0x300;
	s20 =	simm.s32 $0x700  }
0xa: {  	s21 =	simm.s32 $0x180;
	s22 =	simm.s32 $0x580;
	s23 =	simm.s32 $0x380  }
0xb: {  	s24 =	simm.s32 $0x780;
	s25 =	simm.s32 $0x1;
	s26 =	simm.s32 $0x2  }
0xc: {  	[smem:$0x7FF] =	sst s4;
	s8 =	sand.u32 $0x1, s8;
	s10 =	sshll.u32 s3, $0x7  }
0xd: {  	s9 =	ssub.s32 $0x2, s8;
	s8 =	sshll.u32 s8, $0x6;
	_ =	strace $0x80000047  }
0xe: {  	s11 =	sshrl.u32 s9, $0x1;
	s12 =	sor.u32 s8, s10;
	s7 =	sadd.s32 s7, s8  }
0xf: {  	s9 =	ssub.s32 s9, s11;
	s5 =	sadd.s32 s5, s12;
	s6 =	sadd.s32 s6, s12  }
0x10: {  	s7 =	sadd.s32 s10, s7;
	s10 =	simm.s32 $0x200;
	s11 =	simm.s32 $0x80  }
0x11: {  	s12 =	simm.s32 $0x400;
	s8 =	smax.u32 s9, $0x1;
	s9 =	simm.s32 $0x3  }
.LBB2_1:
0x12: {  	[tilespmem:s4], [sflag:$0x3] =	stream.linear.gather [hbm4b:s5+s4], $0x200, $0x38;
	[tilespmem:$0x800] =	vst v63  }
0x13: {  	_ =	swait.ge [sflag:s9], $0x200  }
0x14: {  	[sflag:s9] =	ssyncset.done $0x0  }
0x15: {  	[sflag:s9] =	ssyncadd.s32 $0xFFFFFE00  }
0x16: {  	[tilespmem:s10], [sflag:$0x3] =	stream.linear.gather [hbm4b:s6+s4], $0x200, $0x38;
	[tilespmem:$0x800] =	vst v63  }
0x17: {  	_ =	swait.ge [sflag:s9], $0x200  }
0x18: {  	[sflag:s9] =	ssyncset.done $0x0  }
0x19: {  	[sflag:s9] =	ssyncadd.s32 $0xFFFFFE00  }
0x1a: {  	[tilespmem:s12], [sflag:$0x1] =	stream.indirect.gather [hbm4b:s1+s11], $0x1, s4, s11, $0xb8;
	[tilespmem:$0x800] =	vst v63  }
0x1b: {  	_ = 	snop  }
0x1c: {  	[tilespmem:s13], [sflag:$0x2] =	stream.indirect.gather [hbm4b:s2+s11], $0x1, s10, s11, $0xb8;
	[tilespmem:$0x800] =	vst v63  }
0x1d: {  	_ = 	snop  }
0x1e: {  	[tilespmem:s14], [sflag:$0x1] =	stream.indirect.gather [hbm4b:s1+s11], $0x1, s11, s11, $0xb8;
	[tilespmem:$0x800] =	vst v63  }
0x1f: {  	_ = 	snop  }
0x20: {  	[tilespmem:s16], [sflag:$0x2] =	stream.indirect.gather [hbm4b:s2+s11], $0x1, s15, s11, $0xb8;
	[tilespmem:$0x800] =	vst v63  }
0x21: {  	_ = 	snop  }
0x22: {  	[tilespmem:s18], [sflag:$0x1] =	stream.indirect.gather [hbm4b:s1+s11], $0x1, s17, s11, $0xb8;
	[tilespmem:$0x800] =	vst v63  }
0x23: {  	_ = 	snop  }
0x24: {  	[tilespmem:s20], [sflag:$0x2] =	stream.indirect.gather [hbm4b:s2+s11], $0x1, s19, s11, $0xb8;
	[tilespmem:$0x800] =	vst v63  }
0x25: {  	_ = 	snop  }
0x26: {  	[tilespmem:s22], [sflag:$0x1] =	stream.indirect.gather [hbm4b:s1+s11], $0x1, s21, s11, $0xb8;
	[tilespmem:$0x800] =	vst v63  }
0x27: {  	_ = 	snop  }
0x28: {  	[tilespmem:s24], [sflag:$0x2] =	stream.indirect.gather [hbm4b:s2+s11], $0x1, s23, s11, $0xb8;
	[tilespmem:$0x800] =	vst v63  }
0x29: {  	_ =	swait.ge [sflag:s25], $0x80  }
0x2a: {  	[sflag:s25] =	ssyncset.done $0x0  }
0x2b: {  	[sflag:s25] =	ssyncadd.s32 $0xFFFFFF80  }
0x2c: {  	_ =	swait.ge [sflag:s26], $0x80  }
0x2d: {  	[sflag:s26] =	ssyncset.done $0x0  }
0x2e: {  	[sflag:s26] =	ssyncadd.s32 $0xFFFFFF80  }
0x2f: {  	_ =	swait.ge [sflag:s25], $0x80  }
0x30: {  	[sflag:s25] =	ssyncset.done $0x0  }
0x31: {  	[sflag:s25] =	ssyncadd.s32 $0xFFFFFF80  }
0x32: {  	_ =	swait.ge [sflag:s26], $0x80  }
0x33: {  	[sflag:s26] =	ssyncset.done $0x0  }
0x34: {  	[sflag:s26] =	ssyncadd.s32 $0xFFFFFF80  }
0x35: {  	_ =	swait.ge [sflag:s25], $0x80  }
0x36: {  	[sflag:s25] =	ssyncset.done $0x0  }
0x37: {  	[sflag:s25] =	ssyncadd.s32 $0xFFFFFF80  }
0x38: {  	_ =	swait.ge [sflag:s26], $0x80  }
0x39: {  	[sflag:s26] =	ssyncset.done $0x0  }
0x3a: {  	[sflag:s26] =	ssyncadd.s32 $0xFFFFFF80  }
0x3b: {  	_ =	swait.ge [sflag:s25], $0x80  }
0x3c: {  	[sflag:s25] =	ssyncset.done $0x0  }
0x3d: {  	[sflag:s25] =	ssyncadd.s32 $0xFFFFFF80  }
0x3e: {  	_ =	swait.ge [sflag:s26], $0x80  }
0x3f: {  	[sflag:s26] =	ssyncset.done $0x0  }
0x40: {  	[sflag:s26] =	ssyncadd.s32 $0xFFFFFF80  }
0x41: {  	v0 =	vld [tilespmem:$0x400]  }
0x42: {  	v1 =	vld [tilespmem:$0x600]  }
0x43: {  	v2 =	vld [tilespmem:$0x410]  }
0x44: {  	v3 =	vld [tilespmem:$0x610]  }
0x45: {  	v4 =	vld [tilespmem:$0x420]  }
0x46: {  	v5 =	vld [tilespmem:$0x620]  }
0x47: {  	v6 =	vld [tilespmem:$0x430]  }
0x48: {  	v7 =	vld [tilespmem:$0x630]  }
0x49: {  	v8 =	vld [tilespmem:$0x440]  }
0x4a: {  	v9 =	vld [tilespmem:$0x640]  }
0x4b: {  	v10 =	vld [tilespmem:$0x450]  }
0x4c: {  	v11 =	vld [tilespmem:$0x650]  }
0x4d: {  	v12 =	vld [tilespmem:$0x460]  }
0x4e: {  	v13 =	vld [tilespmem:$0x660]  }
0x4f: {  	v14 =	vld [tilespmem:$0x470]  }
0x50: {  	v15 =	vld [tilespmem:$0x670]  }
0x51: {  	v16 =	vld [tilespmem:$0x480]  }
0x52: {  	v17 =	vld [tilespmem:$0x680]  }
0x53: {  	v18 =	vld [tilespmem:$0x490]  }
0x54: {  	v19 =	vld [tilespmem:$0x690]  }
0x55: {  	v20 =	vld [tilespmem:$0x4A0]  }
0x56: {  	v21 =	vld [tilespmem:$0x6A0]  }
0x57: {  	v22 =	vld [tilespmem:$0x4B0]  }
0x58: {  	v23 =	vld [tilespmem:$0x6B0]  }
0x59: {  	v24 =	vld [tilespmem:$0x4C0]  }
0x5a: {  	v25 =	vld [tilespmem:$0x6C0]  }
0x5b: {  	v26 =	vld [tilespmem:$0x4D0]  }
0x5c: {  	v27 =	vld [tilespmem:$0x6D0]  }
0x5d: {  	v28 =	vld [tilespmem:$0x4E0]  }
0x5e: {  	v29 =	vld [tilespmem:$0x6E0]  }
0x5f: {  	v30 =	vld [tilespmem:$0x4F0]  }
0x60: {  	v31 =	vld [tilespmem:$0x6F0]  }
0x61: {  	v32 =	vld [tilespmem:$0x500]  }
0x62: {  	v33 =	vld [tilespmem:$0x700]  }
0x63: {  	v34 =	vld [tilespmem:$0x510]  }
0x64: {  	v35 =	vld [tilespmem:$0x710]  }
0x65: {  	v36 =	vld [tilespmem:$0x520]  }
0x66: {  	v46 =	vld [tilespmem:$0x720];
	v0 =	vadd.f32 v1, v0  }
0x67: {  	v47 =	vld [tilespmem:$0x530];
	v2 =	vadd.f32 v3, v2  }
0x68: {  	v49 =	vld [tilespmem:$0x730];
	v48 =	vadd.f32 v5, v4;
	[tilespmem:$0x400] =	vst v0  }
0x69: {  	v51 =	vld [tilespmem:$0x540];
	v50 =	vadd.f32 v7, v6;
	[tilespmem:$0x410] =	vst v2  }
0x6a: {  	v53 =	vld [tilespmem:$0x740];
	v52 =	vadd.f32 v9, v8;
	[tilespmem:$0x420] =	vst v48  }
0x6b: {  	v55 =	vld [tilespmem:$0x550];
	v54 =	vadd.f32 v11, v10;
	[tilespmem:$0x430] =	vst v50  }
0x6c: {  	v57 =	vld [tilespmem:$0x750];
	v56 =	vadd.f32 v13, v12;
	[tilespmem:$0x440] =	vst v52  }
0x6d: {  	v59 =	vld [tilespmem:$0x560];
	v58 =	vadd.f32 v15, v14;
	[tilespmem:$0x450] =	vst v54  }
0x6e: {  	v61 =	vld [tilespmem:$0x760];
	v60 =	vadd.f32 v17, v16;
	[tilespmem:$0x460] =	vst v56  }
0x6f: {  	v63 =	vld [tilespmem:$0x570];
	v62 =	vadd.f32 v19, v18;
	[tilespmem:$0x470] =	vst v58  }
0x70: {  	v37 =	vld [tilespmem:$0x5A0];
	v20 =	vadd.f32 v21, v20;
	[tilespmem:$0x480] =	vst v60  }
0x71: {  	v39 =	vld [tilespmem:$0x7A0];
	v22 =	vadd.f32 v23, v22;
	[tilespmem:$0x490] =	vst v62  }
0x72: {  	v41 =	vld [tilespmem:$0x5B0];
	v24 =	vadd.f32 v25, v24;
	[tilespmem:$0x4A0] =	vst v20  }
0x73: {  	v43 =	vld [tilespmem:$0x7B0];
	v26 =	vadd.f32 v27, v26;
	[tilespmem:$0x4B0] =	vst v22  }
0x74: {  	v45 =	vld [tilespmem:$0x5C0];
	v28 =	vadd.f32 v29, v28;
	[tilespmem:$0x4C0] =	vst v24  }
0x75: {  	v21 =	vld [tilespmem:$0x770];
	v31 =	vadd.f32 v31, v30;
	[tilespmem:$0x4D0] =	vst v26  }
0x76: {  	v23 =	vld [tilespmem:$0x580];
	v38 =	vadd.f32 v33, v32;
	[tilespmem:$0x4E0] =	vst v28  }
0x77: {  	v25 =	vld [tilespmem:$0x780];
	v40 =	vadd.f32 v35, v34;
	[tilespmem:$0x4F0] =	vst v31  }
0x78: {  	v27 =	vld [tilespmem:$0x590];
	v42 =	vadd.f32 v46, v36;
	[tilespmem:$0x500] =	vst v38  }
0x79: {  	v29 =	vld [tilespmem:$0x790];
	v44 =	vadd.f32 v49, v47;
	[tilespmem:$0x510] =	vst v40  }
0x7a: {  	v46 =	vadd.f32 v53, v51;
	v47 =	vld [tilespmem:$0x7C0];
	[tilespmem:$0x520] =	vst v42  }
0x7b: {  	v49 =	vld [tilespmem:$0x5D0];
	v1 =	vadd.f32 v43, v41;
	[tilespmem:$0x530] =	vst v44  }
0x7c: {  	v51 =	vld [tilespmem:$0x7D0];
	v48 =	vadd.f32 v57, v55;
	[tilespmem:$0x540] =	vst v46  }
0x7d: {  	v53 =	vld [tilespmem:$0x5E0];
	v50 =	vadd.f32 v61, v59;
	[tilespmem:$0x5B0] =	vst v1  }
0x7e: {  	v55 =	vld [tilespmem:$0x7E0];
	v58 =	vadd.f32 v39, v37;
	[tilespmem:$0x550] =	vst v48  }
0x7f: {  	v57 =	vld [tilespmem:$0x5F0];
	[tilespmem:$0x560] =	vst v50;
	v52 =	vadd.f32 v21, v63  }
0x80: {  	v59 =	vld [tilespmem:$0x7F0];
	[tilespmem:$0x5A0] =	vst v58;
	v54 =	vadd.f32 v25, v23  }
0x81: {  	v56 =	vadd.f32 v29, v27;
	[tilespmem:$0x570] =	vst v52  }
0x82: {  	v60 =	vadd.f32 v47, v45;
	[tilespmem:$0x580] =	vst v54  }
0x83: {  	v61 =	vadd.f32 v51, v49;
	[tilespmem:$0x590] =	vst v56  }
0x84: {  	[tilespmem:$0x5C0] =	vst v60;
	v62 =	vadd.f32 v55, v53  }
0x85: {  	[tilespmem:$0x5D0] =	vst v61;
	v63 =	vadd.f32 v59, v57  }
0x86: {  	p0 =	sne.s32 s8, $0x1;
	[tilespmem:$0x5E0] =	vst v62  }
.Ltmp0:
0x87: {  	[tilespmem:$0x5F0] =	vst v63;
	(pc) =	sbr.rel @p0 .LBB2_1-.Ltmp0, $4  }
0x88: {  	[hbm4b:s7+s4] =	stream.linear.scatter [tilespmem:s12], [sflag:$0x3], $0x200, $0x38;
	[tilespmem:$0x800] =	vst v63  }
0x89: {  	_ =	swait.ge [sflag:s9], $0x200  }
0x8a: {  	[sflag:s9] =	ssyncset.done $0x0  }
0x8b: {  	s8 =	sadd.s32 $0xFFFFFFFF, s8;
	[sflag:s9] =	ssyncadd.s32 $0xFFFFFE00  }
0x8c: {  	_ =	sfence.sel $0x180000  }
0x8d: {  	[bflag:$0x0] =	sbarrier.arrive $0xFFFF  }
0x8e: {  	p0 =	sne.s32 s3, $0x0;
	_ =	strace $0x90000047  }
0x8f: {  	s0 =	sadd.s32 @!p0 $0x100000, s0;
	[bflag:$0x2] =	sbarrier.arrive $0xFFFF  }
0x90: {  	[sflag:s0] =	ssyncadd.tile.s32 @!p0 $0x1;
	_ =	shalt  }
.Lfunc_end2:
_tile_overlayer_lowered:
.L_overlay_start_2:
0x91: {  	(tag) =	ssettag $0x2  }
0x92: {  	s0 =	rddreg [dreg:$0x0];
	s2 =	stileid.u32  }
0x93: {  	s1 =	rddreg [dreg:$0x1];
	p0 =	sne.s32 s2, $0x0  }
0x94: {  	s3 =	rddreg [dreg:$0x2];
	[bflag:$0x3] =	sbarrier.arrive $0xFFFF;
	s2 =	simm.s32 @!p0 $0x1C03  }
0x95: {  	[timem:s3], [sflag:s2] =	dma.local @!p0 [hbm:s0], s1  }
0x96: {  	s0 =	simm.s32 @!p0 $0x3  }
0x97: {  	_ =	swait.ge @!p0 [sflag:s0], s1  }
0x98: {  	s1 =	ssub.s32 @!p0 $0x0, s1;
	[sflag:s0] =	ssyncset.done @!p0 $0x0  }
0x99: {  	[sflag:s0] =	ssyncadd.s32 @!p0 s1  }
0x9a: {  	[bflag:$0x3] =	sbarrier.arrive $0xFFFF  }
0x9b: {  	_ =	shalt  }

</sc_bundles>
